<compile_context>
chip_gen: v7x
topology: tpu7x:2x2x1
jax: 0.10.2.dev20260603
libtpu: 0.0.44.dev20260713+nightly
codegen_flags: <defaults>
</compile_context>

<pallas_src>
import functools

import jax
import jax.numpy as jnp
from jax import lax
from jax.experimental import pallas as pl
from jax.experimental.pallas import tpu as pltpu
from jax.experimental.pallas import tpu_sc as plsc

VOCAB = 1000000
MAX_LEN = 2048
EMB = 64
B, L = 1024, 200
N_IDX = B * L
NC, NS = 2, 16
NW = NC * NS
CHUNK = 128
ROWS_PER_W = N_IDX // NW
CHUNKS_PER_W = ROWS_PER_W // CHUNK
NBUF = 5
N_ITER = CHUNKS_PER_W // NBUF

_mesh = plsc.VectorSubcoreMesh(
    core_axis_name="c", subcore_axis_name="s", num_cores=NC, num_subcores=NS
)


@functools.partial(
    pl.kernel,
    out_type=jax.ShapeDtypeStruct((N_IDX, EMB), jnp.float32),
    mesh=_mesh,
    compiler_params=pltpu.CompilerParams(use_tc_tiling_on_sc=False),
    scratch_types=[
        pltpu.VMEM((ROWS_PER_W,), jnp.int32),
        pltpu.VMEM((ROWS_PER_W,), jnp.int32),
        pltpu.VMEM((NBUF, CHUNK, EMB), jnp.float32),
        pltpu.VMEM_SHARED((MAX_LEN, EMB), jnp.float32),
        pltpu.SemaphoreType.DMA,
        pltpu.SemaphoreType.DMA,
        pltpu.SemaphoreType.DMA,
    ],
)
def _emb_lookup(widx_hbm, pidx_hbm, word_hbm, pos_hbm, out_hbm,
                widx_v, pidx_v, rows_v, pos_sh, wsem, asem, osem):
    sid = lax.axis_index("s")
    wid = sid * NC + lax.axis_index("c")
    out_base = wid * ROWS_PER_W

    icp1 = pltpu.async_copy(widx_hbm.at[pl.ds(out_base, ROWS_PER_W)], widx_v, wsem)
    icp2 = pltpu.async_copy(pidx_hbm.at[pl.ds(out_base, ROWS_PER_W)], pidx_v, wsem)

    @pl.when(sid == 0)
    def _stage_pos_table():
        pltpu.sync_copy(pos_hbm, pos_sh)

    icp1.wait()
    icp2.wait()
    plsc.subcore_barrier()

    def word_cp(j, b):
        return pltpu.async_copy(
            word_hbm.at[widx_v.at[pl.ds(j * CHUNK, CHUNK)]], rows_v.at[b], wsem)

    def pos_cp(j, b):
        return pltpu.async_copy(
            pos_sh.at[pidx_v.at[pl.ds(j * CHUNK, CHUNK)]], rows_v.at[b], asem,
            add=True)

    def out_cp(j, b):
        return pltpu.make_async_copy(
            rows_v.at[b], out_hbm.at[pl.ds(out_base + j * CHUNK, CHUNK)], osem)

    def body(i, carry):
        j0 = i * NBUF

        @pl.when(i > 0)
        def _reclaim_buffers():
            for b in range(NBUF):
                out_cp(j0 - NBUF + b, b).wait()

        wcps = [word_cp(j0 + b, b) for b in range(NBUF)]
        acps = []
        for b in range(NBUF):
            wcps[b].wait()
            acps.append(pos_cp(j0 + b, b))
        for b in range(NBUF):
            acps[b].wait()
            out_cp(j0 + b, b).start()
        return carry

    lax.fori_loop(0, N_ITER, body, 0)
    for b in range(NBUF):
        out_cp((N_ITER - 1) * NBUF + b, b).wait()


def kernel(input_data, pos_data, word_table, pos_table):
    widx = input_data.reshape(N_IDX).astype(jnp.int32)
    pidx = pos_data.reshape(N_IDX).astype(jnp.int32)
    out = _emb_lookup(widx, pidx, word_table, pos_table)
    return out.reshape(B, L, EMB)

# --- scband reference (transcript-rebuilt; emitter-appended) ---
"""Pipeline reference for scband-trans-word-emb-38981123178721 (READ-ONLY COPY).

The authoritative reference and input builder live on the scoring server;
editing this copy changes nothing except your own understanding.
"""

import jax, jax.numpy as jnp
import numpy as np

VOCAB = 1000000
MAX_LEN = 2048
EMB = 64
B, L = 1024, 200

def setup_inputs(seed: int = 0) -> dict:
    key = jax.random.key(seed)
    k1, k2, k3, k4 = jax.random.split(key, 4)
    input_data = jax.random.randint(k1, (B, L), 0, VOCAB, dtype=jnp.int64 if jax.config.jax_enable_x64 else jnp.int32)
    pos_data = jax.random.randint(k2, (B, L), 0, MAX_LEN, dtype=jnp.int64 if jax.config.jax_enable_x64 else jnp.int32)
    word_table = jax.random.normal(k3, (VOCAB, EMB), dtype=jnp.float32)
    # replicate word_emb.weight.data[0].zero_()
    word_table = word_table.at[0].set(0.0)
    pos_table = jax.random.normal(k4, (MAX_LEN, EMB), dtype=jnp.float32)
    return {"input_data": input_data, "pos_data": pos_data, "word_table": word_table, "pos_table": pos_table}

def reference(input_data, pos_data, word_table, pos_table):
    x_word_emb = jnp.take(word_table, input_data, axis=0)
    x_pos_emb = jnp.take(pos_table, pos_data, axis=0)
    emb = x_pos_emb + x_word_emb
    return emb

if __name__ == "__main__":
    import jax
    _d = setup_inputs()
    print(jax.jit(kernel)(*tuple(_d.values())))

</pallas_src>

<mosaic_0001>
#map = affine_map<(d0, d1) -> (0)>
#map1 = affine_map<(d0, d1) -> (0, 0)>
module attributes {stable_mosaic.version = 14 : i64} {
  func.func @_emb_lookup(%arg0: i32, %arg1: i32, %arg2: memref<204800xi32, #tpu.memory_space<hbm>>, %arg3: memref<204800xi32, #tpu.memory_space<hbm>>, %arg4: memref<1000000x64xf32, #tpu.memory_space<hbm>>, %arg5: memref<2048x64xf32, #tpu.memory_space<hbm>>, %arg6: memref<204800x64xf32, #tpu.memory_space<hbm>>, %arg7: memref<6400xi32, #tpu.memory_space<vmem>>, %arg8: memref<6400xi32, #tpu.memory_space<vmem>>, %arg9: memref<5x128x64xf32, #tpu.memory_space<vmem>>, %arg10: memref<2048x64xf32, #tpu.memory_space<vmem_shared>>, %arg11: memref<!tpu.dma_semaphore, #tpu.memory_space<semaphore_mem>>, %arg12: memref<!tpu.dma_semaphore, #tpu.memory_space<semaphore_mem>>, %arg13: memref<!tpu.dma_semaphore, #tpu.memory_space<semaphore_mem>>) attributes {dimension_semantics = [#tpu.dimension_semantics<core_parallel>, #tpu.dimension_semantics<subcore_parallel>], iteration_bounds = array<i64: 2, 16>, scalar_prefetch = 0 : i64, scratch_operands = 7 : i64, tpu.core_type = #tpu.core_type<sc_vector_subcore>, window_params = [{transform_indices = #map}, {transform_indices = #map}, {transform_indices = #map1}, {transform_indices = #map1}, {transform_indices = #map1}]} {
    %mul3A = arith.constant 2 : i32
    %mul3A_0 = arith.muli %arg1, %mul3A : i32
    %add3A = arith.addi %mul3A_0, %arg0 : i32
    %mul3A_1 = arith.constant 6400 : i32
    %mul3A_2 = arith.muli %add3A, %mul3A_1 : i32
    %dma_start3A = tpu.memref_slice %arg2[%mul3A_2] : memref<204800xi32, #tpu.memory_space<hbm>> -> memref<6400xi32, #tpu.memory_space<hbm>>
    %dma_start3A_3 = tpu.memref_slice %arg2[%mul3A_2] : memref<204800xi32, #tpu.memory_space<hbm>> -> memref<6400xi32, #tpu.memory_space<hbm>>
    tpu.enqueue_dma source(%dma_start3A_3 : memref<6400xi32, #tpu.memory_space<hbm>>) target(%arg7 : memref<6400xi32, #tpu.memory_space<vmem>>) target_semaphore(%arg11 : memref<!tpu.dma_semaphore, #tpu.memory_space<semaphore_mem>>)
    %dma_start3A_4 = tpu.memref_slice %arg3[%mul3A_2] : memref<204800xi32, #tpu.memory_space<hbm>> -> memref<6400xi32, #tpu.memory_space<hbm>>
    %dma_start3A_5 = tpu.memref_slice %arg3[%mul3A_2] : memref<204800xi32, #tpu.memory_space<hbm>> -> memref<6400xi32, #tpu.memory_space<hbm>>
    tpu.enqueue_dma source(%dma_start3A_5 : memref<6400xi32, #tpu.memory_space<hbm>>) target(%arg8 : memref<6400xi32, #tpu.memory_space<vmem>>) target_semaphore(%arg11 : memref<!tpu.dma_semaphore, #tpu.memory_space<semaphore_mem>>)
    %eq3A = arith.constant 0 : i32
    %eq3A_6 = arith.cmpi eq, %arg1, %eq3A : i32
    %convert_element_type3A = arith.extui %eq3A_6 : i1 to i32
    %cond3A = arith.constant 0 : i32
    %cond3A_7 = arith.cmpi ne, %convert_element_type3A, %cond3A : i32
    scf.if %cond3A_7 {
      "tpu.region"() ({
        %run_scoped3A = tpu.sem_alloc : memref<!tpu.dma_semaphore, #tpu.memory_space<semaphore_mem>>
        tpu.enqueue_dma source(%arg5 : memref<2048x64xf32, #tpu.memory_space<hbm>>) target(%arg10 : memref<2048x64xf32, #tpu.memory_space<vmem_shared>>) target_semaphore(%run_scoped3A : memref<!tpu.dma_semaphore, #tpu.memory_space<semaphore_mem>>)
        tpu.wait_dma2 semaphore(%run_scoped3A : memref<!tpu.dma_semaphore, #tpu.memory_space<semaphore_mem>>) src(%arg5 : memref<2048x64xf32, #tpu.memory_space<hbm>>) dst(%arg10 : memref<2048x64xf32, #tpu.memory_space<vmem_shared>>)
        tpu.yield
      }) : () -> ()
    } else {
    }
    %dma_wait3A = tpu.memref_slice %arg2[%mul3A_2] : memref<204800xi32, #tpu.memory_space<hbm>> -> memref<6400xi32, #tpu.memory_space<hbm>>
    %dma_wait3A_8 = tpu.memref_slice %arg2[%mul3A_2] : memref<204800xi32, #tpu.memory_space<hbm>> -> memref<6400xi32, #tpu.memory_space<hbm>>
    tpu.wait_dma2 semaphore(%arg11 : memref<!tpu.dma_semaphore, #tpu.memory_space<semaphore_mem>>) src(%dma_wait3A_8 : memref<6400xi32, #tpu.memory_space<hbm>>) dst(%arg7 : memref<6400xi32, #tpu.memory_space<vmem>>)
    %dma_wait3A_9 = tpu.memref_slice %arg3[%mul3A_2] : memref<204800xi32, #tpu.memory_space<hbm>> -> memref<6400xi32, #tpu.memory_space<hbm>>
    %dma_wait3A_10 = tpu.memref_slice %arg3[%mul3A_2] : memref<204800xi32, #tpu.memory_space<hbm>> -> memref<6400xi32, #tpu.memory_space<hbm>>
    tpu.wait_dma2 semaphore(%arg11 : memref<!tpu.dma_semaphore, #tpu.memory_space<semaphore_mem>>) src(%dma_wait3A_10 : memref<6400xi32, #tpu.memory_space<hbm>>) dst(%arg8 : memref<6400xi32, #tpu.memory_space<vmem>>)
    %barrier3A = arith.constant 0 : index
    tpu.barrier barrier_id(%barrier3A)
    %scan3A = arith.constant 0 : i32
    %scan3A_11 = arith.constant 0 : i32
    %scan3A_12 = arith.constant 10 : i32
    %scan3A_13 = arith.addi %scan3A_11, %scan3A_12 : i32
    %scan3A_14 = arith.constant 1 : i32
    scf.for %scan3A_91 = %scan3A_11 to %scan3A_13 step %scan3A_14  : i32 {
      %mul3A_92 = arith.constant 5 : i32
      %mul3A_93 = arith.muli %scan3A_91, %mul3A_92 : i32
      %gt3A = arith.constant 0 : i32
      %gt3A_94 = arith.cmpi sgt, %scan3A_91, %gt3A : i32
      %convert_element_type3A_95 = arith.extui %gt3A_94 : i1 to i32
      %cond3A_96 = arith.constant 0 : i32
      %cond3A_97 = arith.cmpi ne, %convert_element_type3A_95, %cond3A_96 : i32
      scf.if %cond3A_97 {
        %sub3A = arith.constant 5 : i32
        %sub3A_408 = arith.subi %mul3A_93, %sub3A : i32
        %add3A_409 = arith.constant 0 : i32
        %add3A_410 = arith.addi %sub3A_408, %add3A_409 : i32
        %mul3A_411 = arith.constant 128 : i32
        %mul3A_412 = arith.muli %add3A_410, %mul3A_411 : i32
        %add3A_413 = arith.addi %mul3A_2, %mul3A_412 : i32
        %dma_wait3A_414 = arith.constant 0 : i32
        %dma_wait3A_415 = arith.constant 0 : i32
        %dma_wait3A_416 = arith.constant 0 : i32
        %dma_wait3A_417 = tpu.memref_slice %arg9[%dma_wait3A_414, %dma_wait3A_415, %dma_wait3A_416] : memref<5x128x64xf32, #tpu.memory_space<vmem>> -> memref<1x128x64xf32, #tpu.memory_space<vmem>>
        %dma_wait3A_418 = tpu.memref_squeeze %dma_wait3A_417 : memref<1x128x64xf32, #tpu.memory_space<vmem>> -> memref<128x64xf32, #tpu.memory_space<vmem>>
        %dma_wait3A_419 = arith.constant 0 : i32
        %dma_wait3A_420 = tpu.memref_slice %arg6[%add3A_413, %dma_wait3A_419] : memref<204800x64xf32, #tpu.memory_space<hbm>> -> memref<128x64xf32, #tpu.memory_space<hbm>>
        %dma_wait3A_421 = arith.constant 0 : i32
        %dma_wait3A_422 = tpu.memref_slice %arg6[%add3A_413, %dma_wait3A_421] : memref<204800x64xf32, #tpu.memory_space<hbm>> -> memref<128x64xf32, #tpu.memory_space<hbm>>
        %dma_wait3A_423 = arith.constant 0 : i32
        %dma_wait3A_424 = arith.constant 0 : i32
        %dma_wait3A_425 = tpu.memref_slice %arg9[%dma_wait3A_414, %dma_wait3A_423, %dma_wait3A_424] : memref<5x128x64xf32, #tpu.memory_space<vmem>> -> memref<1x128x64xf32, #tpu.memory_space<vmem>>
        %dma_wait3A_426 = tpu.memref_squeeze %dma_wait3A_425 : memref<1x128x64xf32, #tpu.memory_space<vmem>> -> memref<128x64xf32, #tpu.memory_space<vmem>>
        tpu.wait_dma2 semaphore(%arg13 : memref<!tpu.dma_semaphore, #tpu.memory_space<semaphore_mem>>) src(%dma_wait3A_426 : memref<128x64xf32, #tpu.memory_space<vmem>>) dst(%dma_wait3A_422 : memref<128x64xf32, #tpu.memory_space<hbm>>)
        %sub3A_427 = arith.constant 5 : i32
        %sub3A_428 = arith.subi %mul3A_93, %sub3A_427 : i32
        %add3A_429 = arith.constant 1 : i32
        %add3A_430 = arith.addi %sub3A_428, %add3A_429 : i32
        %mul3A_431 = arith.constant 128 : i32
        %mul3A_432 = arith.muli %add3A_430, %mul3A_431 : i32
        %add3A_433 = arith.addi %mul3A_2, %mul3A_432 : i32
        %dma_wait3A_434 = arith.constant 1 : i32
        %dma_wait3A_435 = arith.constant 0 : i32
        %dma_wait3A_436 = arith.constant 0 : i32
        %dma_wait3A_437 = tpu.memref_slice %arg9[%dma_wait3A_434, %dma_wait3A_435, %dma_wait3A_436] : memref<5x128x64xf32, #tpu.memory_space<vmem>> -> memref<1x128x64xf32, #tpu.memory_space<vmem>>
        %dma_wait3A_438 = tpu.memref_squeeze %dma_wait3A_437 : memref<1x128x64xf32, #tpu.memory_space<vmem>> -> memref<128x64xf32, #tpu.memory_space<vmem>>
        %dma_wait3A_439 = arith.constant 0 : i32
        %dma_wait3A_440 = tpu.memref_slice %arg6[%add3A_433, %dma_wait3A_439] : memref<204800x64xf32, #tpu.memory_space<hbm>> -> memref<128x64xf32, #tpu.memory_space<hbm>>
        %dma_wait3A_441 = arith.constant 0 : i32
        %dma_wait3A_442 = tpu.memref_slice %arg6[%add3A_433, %dma_wait3A_441] : memref<204800x64xf32, #tpu.memory_space<hbm>> -> memref<128x64xf32, #tpu.memory_space<hbm>>
        %dma_wait3A_443 = arith.constant 0 : i32
        %dma_wait3A_444 = arith.constant 0 : i32
        %dma_wait3A_445 = tpu.memref_slice %arg9[%dma_wait3A_434, %dma_wait3A_443, %dma_wait3A_444] : memref<5x128x64xf32, #tpu.memory_space<vmem>> -> memref<1x128x64xf32, #tpu.memory_space<vmem>>
        %dma_wait3A_446 = tpu.memref_squeeze %dma_wait3A_445 : memref<1x128x64xf32, #tpu.memory_space<vmem>> -> memref<128x64xf32, #tpu.memory_space<vmem>>
        tpu.wait_dma2 semaphore(%arg13 : memref<!tpu.dma_semaphore, #tpu.memory_space<semaphore_mem>>) src(%dma_wait3A_446 : memref<128x64xf32, #tpu.memory_space<vmem>>) dst(%dma_wait3A_442 : memref<128x64xf32, #tpu.memory_space<hbm>>)
        %sub3A_447 = arith.constant 5 : i32
        %sub3A_448 = arith.subi %mul3A_93, %sub3A_447 : i32
        %add3A_449 = arith.constant 2 : i32
        %add3A_450 = arith.addi %sub3A_448, %add3A_449 : i32
        %mul3A_451 = arith.constant 128 : i32
        %mul3A_452 = arith.muli %add3A_450, %mul3A_451 : i32
        %add3A_453 = arith.addi %mul3A_2, %mul3A_452 : i32
        %dma_wait3A_454 = arith.constant 2 : i32
        %dma_wait3A_455 = arith.constant 0 : i32
        %dma_wait3A_456 = arith.constant 0 : i32
        %dma_wait3A_457 = tpu.memref_slice %arg9[%dma_wait3A_454, %dma_wait3A_455, %dma_wait3A_456] : memref<5x128x64xf32, #tpu.memory_space<vmem>> -> memref<1x128x64xf32, #tpu.memory_space<vmem>>
        %dma_wait3A_458 = tpu.memref_squeeze %dma_wait3A_457 : memref<1x128x64xf32, #tpu.memory_space<vmem>> -> memref<128x64xf32, #tpu.memory_space<vmem>>
        %dma_wait3A_459 = arith.constant 0 : i32
        %dma_wait3A_460 = tpu.memref_slice %arg6[%add3A_453, %dma_wait3A_459] : memref<204800x64xf32, #tpu.memory_space<hbm>> -> memref<128x64xf32, #tpu.memory_space<hbm>>
        %dma_wait3A_461 = arith.constant 0 : i32
        %dma_wait3A_462 = tpu.memref_slice %arg6[%add3A_453, %dma_wait3A_461] : memref<204800x64xf32, #tpu.memory_space<hbm>> -> memref<128x64xf32, #tpu.memory_space<hbm>>
        %dma_wait3A_463 = arith.constant 0 : i32
        %dma_wait3A_464 = arith.constant 0 : i32
        %dma_wait3A_465 = tpu.memref_slice %arg9[%dma_wait3A_454, %dma_wait3A_463, %dma_wait3A_464] : memref<5x128x64xf32, #tpu.memory_space<vmem>> -> memref<1x128x64xf32, #tpu.memory_space<vmem>>
        %dma_wait3A_466 = tpu.memref_squeeze %dma_wait3A_465 : memref<1x128x64xf32, #tpu.memory_space<vmem>> -> memref<128x64xf32, #tpu.memory_space<vmem>>
        tpu.wait_dma2 semaphore(%arg13 : memref<!tpu.dma_semaphore, #tpu.memory_space<semaphore_mem>>) src(%dma_wait3A_466 : memref<128x64xf32, #tpu.memory_space<vmem>>) dst(%dma_wait3A_462 : memref<128x64xf32, #tpu.memory_space<hbm>>)
        %sub3A_467 = arith.constant 5 : i32
        %sub3A_468 = arith.subi %mul3A_93, %sub3A_467 : i32
        %add3A_469 = arith.constant 3 : i32
        %add3A_470 = arith.addi %sub3A_468, %add3A_469 : i32
        %mul3A_471 = arith.constant 128 : i32
        %mul3A_472 = arith.muli %add3A_470, %mul3A_471 : i32
        %add3A_473 = arith.addi %mul3A_2, %mul3A_472 : i32
        %dma_wait3A_474 = arith.constant 3 : i32
        %dma_wait3A_475 = arith.constant 0 : i32
        %dma_wait3A_476 = arith.constant 0 : i32
        %dma_wait3A_477 = tpu.memref_slice %arg9[%dma_wait3A_474, %dma_wait3A_475, %dma_wait3A_476] : memref<5x128x64xf32, #tpu.memory_space<vmem>> -> memref<1x128x64xf32, #tpu.memory_space<vmem>>
        %dma_wait3A_478 = tpu.memref_squeeze %dma_wait3A_477 : memref<1x128x64xf32, #tpu.memory_space<vmem>> -> memref<128x64xf32, #tpu.memory_space<vmem>>
        %dma_wait3A_479 = arith.constant 0 : i32
        %dma_wait3A_480 = tpu.memref_slice %arg6[%add3A_473, %dma_wait3A_479] : memref<204800x64xf32, #tpu.memory_space<hbm>> -> memref<128x64xf32, #tpu.memory_space<hbm>>
        %dma_wait3A_481 = arith.constant 0 : i32
        %dma_wait3A_482 = tpu.memref_slice %arg6[%add3A_473, %dma_wait3A_481] : memref<204800x64xf32, #tpu.memory_space<hbm>> -> memref<128x64xf32, #tpu.memory_space<hbm>>
        %dma_wait3A_483 = arith.constant 0 : i32
        %dma_wait3A_484 = arith.constant 0 : i32
        %dma_wait3A_485 = tpu.memref_slice %arg9[%dma_wait3A_474, %dma_wait3A_483, %dma_wait3A_484] : memref<5x128x64xf32, #tpu.memory_space<vmem>> -> memref<1x128x64xf32, #tpu.memory_space<vmem>>
        %dma_wait3A_486 = tpu.memref_squeeze %dma_wait3A_485 : memref<1x128x64xf32, #tpu.memory_space<vmem>> -> memref<128x64xf32, #tpu.memory_space<vmem>>
        tpu.wait_dma2 semaphore(%arg13 : memref<!tpu.dma_semaphore, #tpu.memory_space<semaphore_mem>>) src(%dma_wait3A_486 : memref<128x64xf32, #tpu.memory_space<vmem>>) dst(%dma_wait3A_482 : memref<128x64xf32, #tpu.memory_space<hbm>>)
        %sub3A_487 = arith.constant 5 : i32
        %sub3A_488 = arith.subi %mul3A_93, %sub3A_487 : i32
        %add3A_489 = arith.constant 4 : i32
        %add3A_490 = arith.addi %sub3A_488, %add3A_489 : i32
        %mul3A_491 = arith.constant 128 : i32
        %mul3A_492 = arith.muli %add3A_490, %mul3A_491 : i32
        %add3A_493 = arith.addi %mul3A_2, %mul3A_492 : i32
        %dma_wait3A_494 = arith.constant 4 : i32
        %dma_wait3A_495 = arith.constant 0 : i32
        %dma_wait3A_496 = arith.constant 0 : i32
        %dma_wait3A_497 = tpu.memref_slice %arg9[%dma_wait3A_494, %dma_wait3A_495, %dma_wait3A_496] : memref<5x128x64xf32, #tpu.memory_space<vmem>> -> memref<1x128x64xf32, #tpu.memory_space<vmem>>
        %dma_wait3A_498 = tpu.memref_squeeze %dma_wait3A_497 : memref<1x128x64xf32, #tpu.memory_space<vmem>> -> memref<128x64xf32, #tpu.memory_space<vmem>>
        %dma_wait3A_499 = arith.constant 0 : i32
        %dma_wait3A_500 = tpu.memref_slice %arg6[%add3A_493, %dma_wait3A_499] : memref<204800x64xf32, #tpu.memory_space<hbm>> -> memref<128x64xf32, #tpu.memory_space<hbm>>
        %dma_wait3A_501 = arith.constant 0 : i32
        %dma_wait3A_502 = tpu.memref_slice %arg6[%add3A_493, %dma_wait3A_501] : memref<204800x64xf32, #tpu.memory_space<hbm>> -> memref<128x64xf32, #tpu.memory_space<hbm>>
        %dma_wait3A_503 = arith.constant 0 : i32
        %dma_wait3A_504 = arith.constant 0 : i32
        %dma_wait3A_505 = tpu.memref_slice %arg9[%dma_wait3A_494, %dma_wait3A_503, %dma_wait3A_504] : memref<5x128x64xf32, #tpu.memory_space<vmem>> -> memref<1x128x64xf32, #tpu.memory_space<vmem>>
        %dma_wait3A_506 = tpu.memref_squeeze %dma_wait3A_505 : memref<1x128x64xf32, #tpu.memory_space<vmem>> -> memref<128x64xf32, #tpu.memory_space<vmem>>
        tpu.wait_dma2 semaphore(%arg13 : memref<!tpu.dma_semaphore, #tpu.memory_space<semaphore_mem>>) src(%dma_wait3A_506 : memref<128x64xf32, #tpu.memory_space<vmem>>) dst(%dma_wait3A_502 : memref<128x64xf32, #tpu.memory_space<hbm>>)
      } else {
      }
      %add3A_98 = arith.constant 0 : i32
      %add3A_99 = arith.addi %mul3A_93, %add3A_98 : i32
      %mul3A_100 = arith.constant 128 : i32
      %mul3A_101 = arith.muli %add3A_99, %mul3A_100 : i32
      %dma_start3A_102 = arith.constant 0 : i32
      %dma_start3A_103 = arith.constant 0 : i32
      %dma_start3A_104 = arith.constant 0 : i32
      %dma_start3A_105 = tpu.memref_slice %arg9[%dma_start3A_102, %dma_start3A_103, %dma_start3A_104] : memref<5x128x64xf32, #tpu.memory_space<vmem>> -> memref<1x128x64xf32, #tpu.memory_space<vmem>>
      %dma_start3A_106 = tpu.memref_squeeze %dma_start3A_105 : memref<1x128x64xf32, #tpu.memory_space<vmem>> -> memref<128x64xf32, #tpu.memory_space<vmem>>
      %dma_start3A_107 = tpu.memref_slice %arg7[%mul3A_101] : memref<6400xi32, #tpu.memory_space<vmem>> -> memref<128xi32, #tpu.memory_space<vmem>>
      %dma_start3A_108 = arith.constant 0 : i32
      %dma_start3A_109 = arith.constant 0 : i32
      %dma_start3A_110 = tpu.memref_slice %arg4[%dma_start3A_108, %dma_start3A_109] : memref<1000000x64xf32, #tpu.memory_space<hbm>> -> memref<1000000x64xf32, #tpu.memory_space<hbm>>
      tpu.enqueue_indirect_dma source(%dma_start3A_110 : memref<1000000x64xf32, #tpu.memory_space<hbm>>) target(%dma_start3A_106 : memref<128x64xf32, #tpu.memory_space<vmem>>) offsets(%dma_start3A_107 : memref<128xi32, #tpu.memory_space<vmem>>) semaphore(%arg11 : memref<!tpu.dma_semaphore, #tpu.memory_space<semaphore_mem>>)
      %add3A_111 = arith.constant 1 : i32
      %add3A_112 = arith.addi %mul3A_93, %add3A_111 : i32
      %mul3A_113 = arith.constant 128 : i32
      %mul3A_114 = arith.muli %add3A_112, %mul3A_113 : i32
      %dma_start3A_115 = arith.constant 1 : i32
      %dma_start3A_116 = arith.constant 0 : i32
      %dma_start3A_117 = arith.constant 0 : i32
      %dma_start3A_118 = tpu.memref_slice %arg9[%dma_start3A_115, %dma_start3A_116, %dma_start3A_117] : memref<5x128x64xf32, #tpu.memory_space<vmem>> -> memref<1x128x64xf32, #tpu.memory_space<vmem>>
      %dma_start3A_119 = tpu.memref_squeeze %dma_start3A_118 : memref<1x128x64xf32, #tpu.memory_space<vmem>> -> memref<128x64xf32, #tpu.memory_space<vmem>>
      %dma_start3A_120 = tpu.memref_slice %arg7[%mul3A_114] : memref<6400xi32, #tpu.memory_space<vmem>> -> memref<128xi32, #tpu.memory_space<vmem>>
      %dma_start3A_121 = arith.constant 0 : i32
      %dma_start3A_122 = arith.constant 0 : i32
      %dma_start3A_123 = tpu.memref_slice %arg4[%dma_start3A_121, %dma_start3A_122] : memref<1000000x64xf32, #tpu.memory_space<hbm>> -> memref<1000000x64xf32, #tpu.memory_space<hbm>>
      tpu.enqueue_indirect_dma source(%dma_start3A_123 : memref<1000000x64xf32, #tpu.memory_space<hbm>>) target(%dma_start3A_119 : memref<128x64xf32, #tpu.memory_space<vmem>>) offsets(%dma_start3A_120 : memref<128xi32, #tpu.memory_space<vmem>>) semaphore(%arg11 : memref<!tpu.dma_semaphore, #tpu.memory_space<semaphore_mem>>)
      %add3A_124 = arith.constant 2 : i32
      %add3A_125 = arith.addi %mul3A_93, %add3A_124 : i32
      %mul3A_126 = arith.constant 128 : i32
      %mul3A_127 = arith.muli %add3A_125, %mul3A_126 : i32
      %dma_start3A_128 = arith.constant 2 : i32
      %dma_start3A_129 = arith.constant 0 : i32
      %dma_start3A_130 = arith.constant 0 : i32
      %dma_start3A_131 = tpu.memref_slice %arg9[%dma_start3A_128, %dma_start3A_129, %dma_start3A_130] : memref<5x128x64xf32, #tpu.memory_space<vmem>> -> memref<1x128x64xf32, #tpu.memory_space<vmem>>
      %dma_start3A_132 = tpu.memref_squeeze %dma_start3A_131 : memref<1x128x64xf32, #tpu.memory_space<vmem>> -> memref<128x64xf32, #tpu.memory_space<vmem>>
      %dma_start3A_133 = tpu.memref_slice %arg7[%mul3A_127] : memref<6400xi32, #tpu.memory_space<vmem>> -> memref<128xi32, #tpu.memory_space<vmem>>
      %dma_start3A_134 = arith.constant 0 : i32
      %dma_start3A_135 = arith.constant 0 : i32
      %dma_start3A_136 = tpu.memref_slice %arg4[%dma_start3A_134, %dma_start3A_135] : memref<1000000x64xf32, #tpu.memory_space<hbm>> -> memref<1000000x64xf32, #tpu.memory_space<hbm>>
      tpu.enqueue_indirect_dma source(%dma_start3A_136 : memref<1000000x64xf32, #tpu.memory_space<hbm>>) target(%dma_start3A_132 : memref<128x64xf32, #tpu.memory_space<vmem>>) offsets(%dma_start3A_133 : memref<128xi32, #tpu.memory_space<vmem>>) semaphore(%arg11 : memref<!tpu.dma_semaphore, #tpu.memory_space<semaphore_mem>>)
      %add3A_137 = arith.constant 3 : i32
      %add3A_138 = arith.addi %mul3A_93, %add3A_137 : i32
      %mul3A_139 = arith.constant 128 : i32
      %mul3A_140 = arith.muli %add3A_138, %mul3A_139 : i32
      %dma_start3A_141 = arith.constant 3 : i32
      %dma_start3A_142 = arith.constant 0 : i32
      %dma_start3A_143 = arith.constant 0 : i32
      %dma_start3A_144 = tpu.memref_slice %arg9[%dma_start3A_141, %dma_start3A_142, %dma_start3A_143] : memref<5x128x64xf32, #tpu.memory_space<vmem>> -> memref<1x128x64xf32, #tpu.memory_space<vmem>>
      %dma_start3A_145 = tpu.memref_squeeze %dma_start3A_144 : memref<1x128x64xf32, #tpu.memory_space<vmem>> -> memref<128x64xf32, #tpu.memory_space<vmem>>
      %dma_start3A_146 = tpu.memref_slice %arg7[%mul3A_140] : memref<6400xi32, #tpu.memory_space<vmem>> -> memref<128xi32, #tpu.memory_space<vmem>>
      %dma_start3A_147 = arith.constant 0 : i32
      %dma_start3A_148 = arith.constant 0 : i32
      %dma_start3A_149 = tpu.memref_slice %arg4[%dma_start3A_147, %dma_start3A_148] : memref<1000000x64xf32, #tpu.memory_space<hbm>> -> memref<1000000x64xf32, #tpu.memory_space<hbm>>
      tpu.enqueue_indirect_dma source(%dma_start3A_149 : memref<1000000x64xf32, #tpu.memory_space<hbm>>) target(%dma_start3A_145 : memref<128x64xf32, #tpu.memory_space<vmem>>) offsets(%dma_start3A_146 : memref<128xi32, #tpu.memory_space<vmem>>) semaphore(%arg11 : memref<!tpu.dma_semaphore, #tpu.memory_space<semaphore_mem>>)
      %add3A_150 = arith.constant 4 : i32
      %add3A_151 = arith.addi %mul3A_93, %add3A_150 : i32
      %mul3A_152 = arith.constant 128 : i32
      %mul3A_153 = arith.muli %add3A_151, %mul3A_152 : i32
      %dma_start3A_154 = arith.constant 4 : i32
      %dma_start3A_155 = arith.constant 0 : i32
      %dma_start3A_156 = arith.constant 0 : i32
      %dma_start3A_157 = tpu.memref_slice %arg9[%dma_start3A_154, %dma_start3A_155, %dma_start3A_156] : memref<5x128x64xf32, #tpu.memory_space<vmem>> -> memref<1x128x64xf32, #tpu.memory_space<vmem>>
      %dma_start3A_158 = tpu.memref_squeeze %dma_start3A_157 : memref<1x128x64xf32, #tpu.memory_space<vmem>> -> memref<128x64xf32, #tpu.memory_space<vmem>>
      %dma_start3A_159 = tpu.memref_slice %arg7[%mul3A_153] : memref<6400xi32, #tpu.memory_space<vmem>> -> memref<128xi32, #tpu.memory_space<vmem>>
      %dma_start3A_160 = arith.constant 0 : i32
      %dma_start3A_161 = arith.constant 0 : i32
      %dma_start3A_162 = tpu.memref_slice %arg4[%dma_start3A_160, %dma_start3A_161] : memref<1000000x64xf32, #tpu.memory_space<hbm>> -> memref<1000000x64xf32, #tpu.memory_space<hbm>>
      tpu.enqueue_indirect_dma source(%dma_start3A_162 : memref<1000000x64xf32, #tpu.memory_space<hbm>>) target(%dma_start3A_158 : memref<128x64xf32, #tpu.memory_space<vmem>>) offsets(%dma_start3A_159 : memref<128xi32, #tpu.memory_space<vmem>>) semaphore(%arg11 : memref<!tpu.dma_semaphore, #tpu.memory_space<semaphore_mem>>)
      %dma_wait3A_163 = arith.constant 0 : i32
      %dma_wait3A_164 = arith.constant 0 : i32
      %dma_wait3A_165 = arith.constant 0 : i32
      %dma_wait3A_166 = tpu.memref_slice %arg9[%dma_wait3A_163, %dma_wait3A_164, %dma_wait3A_165] : memref<5x128x64xf32, #tpu.memory_space<vmem>> -> memref<1x128x64xf32, #tpu.memory_space<vmem>>
      %dma_wait3A_167 = tpu.memref_squeeze %dma_wait3A_166 : memref<1x128x64xf32, #tpu.memory_space<vmem>> -> memref<128x64xf32, #tpu.memory_space<vmem>>
      %dma_wait3A_168 = tpu.memref_slice %arg7[%mul3A_101] : memref<6400xi32, #tpu.memory_space<vmem>> -> memref<128xi32, #tpu.memory_space<vmem>>
      %dma_wait3A_169 = arith.constant 0 : i32
      %dma_wait3A_170 = arith.constant 0 : i32
      %dma_wait3A_171 = tpu.memref_slice %arg4[%dma_wait3A_169, %dma_wait3A_170] : memref<1000000x64xf32, #tpu.memory_space<hbm>> -> memref<1000000x64xf32, #tpu.memory_space<hbm>>
      tpu.wait_indirect_dma semaphore(%arg11 : memref<!tpu.dma_semaphore, #tpu.memory_space<semaphore_mem>>) src(%dma_wait3A_171 : memref<1000000x64xf32, #tpu.memory_space<hbm>>) dst(%dma_wait3A_167 : memref<128x64xf32, #tpu.memory_space<vmem>>)
      %add3A_172 = arith.constant 0 : i32
      %add3A_173 = arith.addi %mul3A_93, %add3A_172 : i32
      %mul3A_174 = arith.constant 128 : i32
      %mul3A_175 = arith.muli %add3A_173, %mul3A_174 : i32
      %dma_start3A_176 = arith.constant 0 : i32
      %dma_start3A_177 = arith.constant 0 : i32
      %dma_start3A_178 = arith.constant 0 : i32
      %dma_start3A_179 = tpu.memref_slice %arg9[%dma_start3A_176, %dma_start3A_177, %dma_start3A_178] : memref<5x128x64xf32, #tpu.memory_space<vmem>> -> memref<1x128x64xf32, #tpu.memory_space<vmem>>
      %dma_start3A_180 = tpu.memref_squeeze %dma_start3A_179 : memref<1x128x64xf32, #tpu.memory_space<vmem>> -> memref<128x64xf32, #tpu.memory_space<vmem>>
      %dma_start3A_181 = tpu.memref_slice %arg8[%mul3A_175] : memref<6400xi32, #tpu.memory_space<vmem>> -> memref<128xi32, #tpu.memory_space<vmem>>
      %dma_start3A_182 = arith.constant 0 : i32
      %dma_start3A_183 = arith.constant 0 : i32
      %dma_start3A_184 = tpu.memref_slice %arg10[%dma_start3A_182, %dma_start3A_183] : memref<2048x64xf32, #tpu.memory_space<vmem_shared>> -> memref<2048x64xf32, #tpu.memory_space<vmem_shared>>
      tpu.enqueue_indirect_dma source(%dma_start3A_184 : memref<2048x64xf32, #tpu.memory_space<vmem_shared>>) target(%dma_start3A_180 : memref<128x64xf32, #tpu.memory_space<vmem>>) offsets(%dma_start3A_181 : memref<128xi32, #tpu.memory_space<vmem>>) semaphore(%arg12 : memref<!tpu.dma_semaphore, #tpu.memory_space<semaphore_mem>>) {add = true}
      %dma_wait3A_185 = arith.constant 1 : i32
      %dma_wait3A_186 = arith.constant 0 : i32
      %dma_wait3A_187 = arith.constant 0 : i32
      %dma_wait3A_188 = tpu.memref_slice %arg9[%dma_wait3A_185, %dma_wait3A_186, %dma_wait3A_187] : memref<5x128x64xf32, #tpu.memory_space<vmem>> -> memref<1x128x64xf32, #tpu.memory_space<vmem>>
      %dma_wait3A_189 = tpu.memref_squeeze %dma_wait3A_188 : memref<1x128x64xf32, #tpu.memory_space<vmem>> -> memref<128x64xf32, #tpu.memory_space<vmem>>
      %dma_wait3A_190 = tpu.memref_slice %arg7[%mul3A_114] : memref<6400xi32, #tpu.memory_space<vmem>> -> memref<128xi32, #tpu.memory_space<vmem>>
      %dma_wait3A_191 = arith.constant 0 : i32
      %dma_wait3A_192 = arith.constant 0 : i32
      %dma_wait3A_193 = tpu.memref_slice %arg4[%dma_wait3A_191, %dma_wait3A_192] : memref<1000000x64xf32, #tpu.memory_space<hbm>> -> memref<1000000x64xf32, #tpu.memory_space<hbm>>
      tpu.wait_indirect_dma semaphore(%arg11 : memref<!tpu.dma_semaphore, #tpu.memory_space<semaphore_mem>>) src(%dma_wait3A_193 : memref<1000000x64xf32, #tpu.memory_space<hbm>>) dst(%dma_wait3A_189 : memref<128x64xf32, #tpu.memory_space<vmem>>)
      %add3A_194 = arith.constant 1 : i32
      %add3A_195 = arith.addi %mul3A_93, %add3A_194 : i32
      %mul3A_196 = arith.constant 128 : i32
      %mul3A_197 = arith.muli %add3A_195, %mul3A_196 : i32
      %dma_start3A_198 = arith.constant 1 : i32
      %dma_start3A_199 = arith.constant 0 : i32
      %dma_start3A_200 = arith.constant 0 : i32
      %dma_start3A_201 = tpu.memref_slice %arg9[%dma_start3A_198, %dma_start3A_199, %dma_start3A_200] : memref<5x128x64xf32, #tpu.memory_space<vmem>> -> memref<1x128x64xf32, #tpu.memory_space<vmem>>
      %dma_start3A_202 = tpu.memref_squeeze %dma_start3A_201 : memref<1x128x64xf32, #tpu.memory_space<vmem>> -> memref<128x64xf32, #tpu.memory_space<vmem>>
      %dma_start3A_203 = tpu.memref_slice %arg8[%mul3A_197] : memref<6400xi32, #tpu.memory_space<vmem>> -> memref<128xi32, #tpu.memory_space<vmem>>
      %dma_start3A_204 = arith.constant 0 : i32
      %dma_start3A_205 = arith.constant 0 : i32
      %dma_start3A_206 = tpu.memref_slice %arg10[%dma_start3A_204, %dma_start3A_205] : memref<2048x64xf32, #tpu.memory_space<vmem_shared>> -> memref<2048x64xf32, #tpu.memory_space<vmem_shared>>
      tpu.enqueue_indirect_dma source(%dma_start3A_206 : memref<2048x64xf32, #tpu.memory_space<vmem_shared>>) target(%dma_start3A_202 : memref<128x64xf32, #tpu.memory_space<vmem>>) offsets(%dma_start3A_203 : memref<128xi32, #tpu.memory_space<vmem>>) semaphore(%arg12 : memref<!tpu.dma_semaphore, #tpu.memory_space<semaphore_mem>>) {add = true}
      %dma_wait3A_207 = arith.constant 2 : i32
      %dma_wait3A_208 = arith.constant 0 : i32
      %dma_wait3A_209 = arith.constant 0 : i32
      %dma_wait3A_210 = tpu.memref_slice %arg9[%dma_wait3A_207, %dma_wait3A_208, %dma_wait3A_209] : memref<5x128x64xf32, #tpu.memory_space<vmem>> -> memref<1x128x64xf32, #tpu.memory_space<vmem>>
      %dma_wait3A_211 = tpu.memref_squeeze %dma_wait3A_210 : memref<1x128x64xf32, #tpu.memory_space<vmem>> -> memref<128x64xf32, #tpu.memory_space<vmem>>
      %dma_wait3A_212 = tpu.memref_slice %arg7[%mul3A_127] : memref<6400xi32, #tpu.memory_space<vmem>> -> memref<128xi32, #tpu.memory_space<vmem>>
      %dma_wait3A_213 = arith.constant 0 : i32
      %dma_wait3A_214 = arith.constant 0 : i32
      %dma_wait3A_215 = tpu.memref_slice %arg4[%dma_wait3A_213, %dma_wait3A_214] : memref<1000000x64xf32, #tpu.memory_space<hbm>> -> memref<1000000x64xf32, #tpu.memory_space<hbm>>
      tpu.wait_indirect_dma semaphore(%arg11 : memref<!tpu.dma_semaphore, #tpu.memory_space<semaphore_mem>>) src(%dma_wait3A_215 : memref<1000000x64xf32, #tpu.memory_space<hbm>>) dst(%dma_wait3A_211 : memref<128x64xf32, #tpu.memory_space<vmem>>)
      %add3A_216 = arith.constant 2 : i32
      %add3A_217 = arith.addi %mul3A_93, %add3A_216 : i32
      %mul3A_218 = arith.constant 128 : i32
      %mul3A_219 = arith.muli %add3A_217, %mul3A_218 : i32
      %dma_start3A_220 = arith.constant 2 : i32
      %dma_start3A_221 = arith.constant 0 : i32
      %dma_start3A_222 = arith.constant 0 : i32
      %dma_start3A_223 = tpu.memref_slice %arg9[%dma_start3A_220, %dma_start3A_221, %dma_start3A_222] : memref<5x128x64xf32, #tpu.memory_space<vmem>> -> memref<1x128x64xf32, #tpu.memory_space<vmem>>
      %dma_start3A_224 = tpu.memref_squeeze %dma_start3A_223 : memref<1x128x64xf32, #tpu.memory_space<vmem>> -> memref<128x64xf32, #tpu.memory_space<vmem>>
      %dma_start3A_225 = tpu.memref_slice %arg8[%mul3A_219] : memref<6400xi32, #tpu.memory_space<vmem>> -> memref<128xi32, #tpu.memory_space<vmem>>
      %dma_start3A_226 = arith.constant 0 : i32
      %dma_start3A_227 = arith.constant 0 : i32
      %dma_start3A_228 = tpu.memref_slice %arg10[%dma_start3A_226, %dma_start3A_227] : memref<2048x64xf32, #tpu.memory_space<vmem_shared>> -> memref<2048x64xf32, #tpu.memory_space<vmem_shared>>
      tpu.enqueue_indirect_dma source(%dma_start3A_228 : memref<2048x64xf32, #tpu.memory_space<vmem_shared>>) target(%dma_start3A_224 : memref<128x64xf32, #tpu.memory_space<vmem>>) offsets(%dma_start3A_225 : memref<128xi32, #tpu.memory_space<vmem>>) semaphore(%arg12 : memref<!tpu.dma_semaphore, #tpu.memory_space<semaphore_mem>>) {add = true}
      %dma_wait3A_229 = arith.constant 3 : i32
      %dma_wait3A_230 = arith.constant 0 : i32
      %dma_wait3A_231 = arith.constant 0 : i32
      %dma_wait3A_232 = tpu.memref_slice %arg9[%dma_wait3A_229, %dma_wait3A_230, %dma_wait3A_231] : memref<5x128x64xf32, #tpu.memory_space<vmem>> -> memref<1x128x64xf32, #tpu.memory_space<vmem>>
      %dma_wait3A_233 = tpu.memref_squeeze %dma_wait3A_232 : memref<1x128x64xf32, #tpu.memory_space<vmem>> -> memref<128x64xf32, #tpu.memory_space<vmem>>
      %dma_wait3A_234 = tpu.memref_slice %arg7[%mul3A_140] : memref<6400xi32, #tpu.memory_space<vmem>> -> memref<128xi32, #tpu.memory_space<vmem>>
      %dma_wait3A_235 = arith.constant 0 : i32
      %dma_wait3A_236 = arith.constant 0 : i32
      %dma_wait3A_237 = tpu.memref_slice %arg4[%dma_wait3A_235, %dma_wait3A_236] : memref<1000000x64xf32, #tpu.memory_space<hbm>> -> memref<1000000x64xf32, #tpu.memory_space<hbm>>
      tpu.wait_indirect_dma semaphore(%arg11 : memref<!tpu.dma_semaphore, #tpu.memory_space<semaphore_mem>>) src(%dma_wait3A_237 : memref<1000000x64xf32, #tpu.memory_space<hbm>>) dst(%dma_wait3A_233 : memref<128x64xf32, #tpu.memory_space<vmem>>)
      %add3A_238 = arith.constant 3 : i32
      %add3A_239 = arith.addi %mul3A_93, %add3A_238 : i32
      %mul3A_240 = arith.constant 128 : i32
      %mul3A_241 = arith.muli %add3A_239, %mul3A_240 : i32
      %dma_start3A_242 = arith.constant 3 : i32
      %dma_start3A_243 = arith.constant 0 : i32
      %dma_start3A_244 = arith.constant 0 : i32
      %dma_start3A_245 = tpu.memref_slice %arg9[%dma_start3A_242, %dma_start3A_243, %dma_start3A_244] : memref<5x128x64xf32, #tpu.memory_space<vmem>> -> memref<1x128x64xf32, #tpu.memory_space<vmem>>
      %dma_start3A_246 = tpu.memref_squeeze %dma_start3A_245 : memref<1x128x64xf32, #tpu.memory_space<vmem>> -> memref<128x64xf32, #tpu.memory_space<vmem>>
      %dma_start3A_247 = tpu.memref_slice %arg8[%mul3A_241] : memref<6400xi32, #tpu.memory_space<vmem>> -> memref<128xi32, #tpu.memory_space<vmem>>
      %dma_start3A_248 = arith.constant 0 : i32
      %dma_start3A_249 = arith.constant 0 : i32
      %dma_start3A_250 = tpu.memref_slice %arg10[%dma_start3A_248, %dma_start3A_249] : memref<2048x64xf32, #tpu.memory_space<vmem_shared>> -> memref<2048x64xf32, #tpu.memory_space<vmem_shared>>
      tpu.enqueue_indirect_dma source(%dma_start3A_250 : memref<2048x64xf32, #tpu.memory_space<vmem_shared>>) target(%dma_start3A_246 : memref<128x64xf32, #tpu.memory_space<vmem>>) offsets(%dma_start3A_247 : memref<128xi32, #tpu.memory_space<vmem>>) semaphore(%arg12 : memref<!tpu.dma_semaphore, #tpu.memory_space<semaphore_mem>>) {add = true}
      %dma_wait3A_251 = arith.constant 4 : i32
      %dma_wait3A_252 = arith.constant 0 : i32
      %dma_wait3A_253 = arith.constant 0 : i32
      %dma_wait3A_254 = tpu.memref_slice %arg9[%dma_wait3A_251, %dma_wait3A_252, %dma_wait3A_253] : memref<5x128x64xf32, #tpu.memory_space<vmem>> -> memref<1x128x64xf32, #tpu.memory_space<vmem>>
      %dma_wait3A_255 = tpu.memref_squeeze %dma_wait3A_254 : memref<1x128x64xf32, #tpu.memory_space<vmem>> -> memref<128x64xf32, #tpu.memory_space<vmem>>
      %dma_wait3A_256 = tpu.memref_slice %arg7[%mul3A_153] : memref<6400xi32, #tpu.memory_space<vmem>> -> memref<128xi32, #tpu.memory_space<vmem>>
      %dma_wait3A_257 = arith.constant 0 : i32
      %dma_wait3A_258 = arith.constant 0 : i32
      %dma_wait3A_259 = tpu.memref_slice %arg4[%dma_wait3A_257, %dma_wait3A_258] : memref<1000000x64xf32, #tpu.memory_space<hbm>> -> memref<1000000x64xf32, #tpu.memory_space<hbm>>
      tpu.wait_indirect_dma semaphore(%arg11 : memref<!tpu.dma_semaphore, #tpu.memory_space<semaphore_mem>>) src(%dma_wait3A_259 : memref<1000000x64xf32, #tpu.memory_space<hbm>>) dst(%dma_wait3A_255 : memref<128x64xf32, #tpu.memory_space<vmem>>)
      %add3A_260 = arith.constant 4 : i32
      %add3A_261 = arith.addi %mul3A_93, %add3A_260 : i32
      %mul3A_262 = arith.constant 128 : i32
      %mul3A_263 = arith.muli %add3A_261, %mul3A_262 : i32
      %dma_start3A_264 = arith.constant 4 : i32
      %dma_start3A_265 = arith.constant 0 : i32
      %dma_start3A_266 = arith.constant 0 : i32
      %dma_start3A_267 = tpu.memref_slice %arg9[%dma_start3A_264, %dma_start3A_265, %dma_start3A_266] : memref<5x128x64xf32, #tpu.memory_space<vmem>> -> memref<1x128x64xf32, #tpu.memory_space<vmem>>
      %dma_start3A_268 = tpu.memref_squeeze %dma_start3A_267 : memref<1x128x64xf32, #tpu.memory_space<vmem>> -> memref<128x64xf32, #tpu.memory_space<vmem>>
      %dma_start3A_269 = tpu.memref_slice %arg8[%mul3A_263] : memref<6400xi32, #tpu.memory_space<vmem>> -> memref<128xi32, #tpu.memory_space<vmem>>
      %dma_start3A_270 = arith.constant 0 : i32
      %dma_start3A_271 = arith.constant 0 : i32
      %dma_start3A_272 = tpu.memref_slice %arg10[%dma_start3A_270, %dma_start3A_271] : memref<2048x64xf32, #tpu.memory_space<vmem_shared>> -> memref<2048x64xf32, #tpu.memory_space<vmem_shared>>
      tpu.enqueue_indirect_dma source(%dma_start3A_272 : memref<2048x64xf32, #tpu.memory_space<vmem_shared>>) target(%dma_start3A_268 : memref<128x64xf32, #tpu.memory_space<vmem>>) offsets(%dma_start3A_269 : memref<128xi32, #tpu.memory_space<vmem>>) semaphore(%arg12 : memref<!tpu.dma_semaphore, #tpu.memory_space<semaphore_mem>>) {add = true}
      %dma_wait3A_273 = arith.constant 0 : i32
      %dma_wait3A_274 = arith.constant 0 : i32
      %dma_wait3A_275 = arith.constant 0 : i32
      %dma_wait3A_276 = tpu.memref_slice %arg9[%dma_wait3A_273, %dma_wait3A_274, %dma_wait3A_275] : memref<5x128x64xf32, #tpu.memory_space<vmem>> -> memref<1x128x64xf32, #tpu.memory_space<vmem>>
      %dma_wait3A_277 = tpu.memref_squeeze %dma_wait3A_276 : memref<1x128x64xf32, #tpu.memory_space<vmem>> -> memref<128x64xf32, #tpu.memory_space<vmem>>
      %dma_wait3A_278 = tpu.memref_slice %arg8[%mul3A_175] : memref<6400xi32, #tpu.memory_space<vmem>> -> memref<128xi32, #tpu.memory_space<vmem>>
      %dma_wait3A_279 = arith.constant 0 : i32
      %dma_wait3A_280 = arith.constant 0 : i32
      %dma_wait3A_281 = tpu.memref_slice %arg10[%dma_wait3A_279, %dma_wait3A_280] : memref<2048x64xf32, #tpu.memory_space<vmem_shared>> -> memref<2048x64xf32, #tpu.memory_space<vmem_shared>>
      tpu.wait_indirect_dma semaphore(%arg12 : memref<!tpu.dma_semaphore, #tpu.memory_space<semaphore_mem>>) src(%dma_wait3A_281 : memref<2048x64xf32, #tpu.memory_space<vmem_shared>>) dst(%dma_wait3A_277 : memref<128x64xf32, #tpu.memory_space<vmem>>)
      %add3A_282 = arith.constant 0 : i32
      %add3A_283 = arith.addi %mul3A_93, %add3A_282 : i32
      %mul3A_284 = arith.constant 128 : i32
      %mul3A_285 = arith.muli %add3A_283, %mul3A_284 : i32
      %add3A_286 = arith.addi %mul3A_2, %mul3A_285 : i32
      %dma_start3A_287 = arith.constant 0 : i32
      %dma_start3A_288 = arith.constant 0 : i32
      %dma_start3A_289 = arith.constant 0 : i32
      %dma_start3A_290 = tpu.memref_slice %arg9[%dma_start3A_287, %dma_start3A_288, %dma_start3A_289] : memref<5x128x64xf32, #tpu.memory_space<vmem>> -> memref<1x128x64xf32, #tpu.memory_space<vmem>>
      %dma_start3A_291 = tpu.memref_squeeze %dma_start3A_290 : memref<1x128x64xf32, #tpu.memory_space<vmem>> -> memref<128x64xf32, #tpu.memory_space<vmem>>
      %dma_start3A_292 = arith.constant 0 : i32
      %dma_start3A_293 = tpu.memref_slice %arg6[%add3A_286, %dma_start3A_292] : memref<204800x64xf32, #tpu.memory_space<hbm>> -> memref<128x64xf32, #tpu.memory_space<hbm>>
      %dma_start3A_294 = arith.constant 0 : i32
      %dma_start3A_295 = tpu.memref_slice %arg6[%add3A_286, %dma_start3A_294] : memref<204800x64xf32, #tpu.memory_space<hbm>> -> memref<128x64xf32, #tpu.memory_space<hbm>>
      %dma_start3A_296 = arith.constant 0 : i32
      %dma_start3A_297 = arith.constant 0 : i32
      %dma_start3A_298 = tpu.memref_slice %arg9[%dma_start3A_287, %dma_start3A_296, %dma_start3A_297] : memref<5x128x64xf32, #tpu.memory_space<vmem>> -> memref<1x128x64xf32, #tpu.memory_space<vmem>>
      %dma_start3A_299 = tpu.memref_squeeze %dma_start3A_298 : memref<1x128x64xf32, #tpu.memory_space<vmem>> -> memref<128x64xf32, #tpu.memory_space<vmem>>
      tpu.enqueue_dma source(%dma_start3A_299 : memref<128x64xf32, #tpu.memory_space<vmem>>) target(%dma_start3A_295 : memref<128x64xf32, #tpu.memory_space<hbm>>) target_semaphore(%arg13 : memref<!tpu.dma_semaphore, #tpu.memory_space<semaphore_mem>>)
      %dma_wait3A_300 = arith.constant 1 : i32
      %dma_wait3A_301 = arith.constant 0 : i32
      %dma_wait3A_302 = arith.constant 0 : i32
      %dma_wait3A_303 = tpu.memref_slice %arg9[%dma_wait3A_300, %dma_wait3A_301, %dma_wait3A_302] : memref<5x128x64xf32, #tpu.memory_space<vmem>> -> memref<1x128x64xf32, #tpu.memory_space<vmem>>
      %dma_wait3A_304 = tpu.memref_squeeze %dma_wait3A_303 : memref<1x128x64xf32, #tpu.memory_space<vmem>> -> memref<128x64xf32, #tpu.memory_space<vmem>>
      %dma_wait3A_305 = tpu.memref_slice %arg8[%mul3A_197] : memref<6400xi32, #tpu.memory_space<vmem>> -> memref<128xi32, #tpu.memory_space<vmem>>
      %dma_wait3A_306 = arith.constant 0 : i32
      %dma_wait3A_307 = arith.constant 0 : i32
      %dma_wait3A_308 = tpu.memref_slice %arg10[%dma_wait3A_306, %dma_wait3A_307] : memref<2048x64xf32, #tpu.memory_space<vmem_shared>> -> memref<2048x64xf32, #tpu.memory_space<vmem_shared>>
      tpu.wait_indirect_dma semaphore(%arg12 : memref<!tpu.dma_semaphore, #tpu.memory_space<semaphore_mem>>) src(%dma_wait3A_308 : memref<2048x64xf32, #tpu.memory_space<vmem_shared>>) dst(%dma_wait3A_304 : memref<128x64xf32, #tpu.memory_space<vmem>>)
      %add3A_309 = arith.constant 1 : i32
      %add3A_310 = arith.addi %mul3A_93, %add3A_309 : i32
      %mul3A_311 = arith.constant 128 : i32
      %mul3A_312 = arith.muli %add3A_310, %mul3A_311 : i32
      %add3A_313 = arith.addi %mul3A_2, %mul3A_312 : i32
      %dma_start3A_314 = arith.constant 1 : i32
      %dma_start3A_315 = arith.constant 0 : i32
      %dma_start3A_316 = arith.constant 0 : i32
      %dma_start3A_317 = tpu.memref_slice %arg9[%dma_start3A_314, %dma_start3A_315, %dma_start3A_316] : memref<5x128x64xf32, #tpu.memory_space<vmem>> -> memref<1x128x64xf32, #tpu.memory_space<vmem>>
      %dma_start3A_318 = tpu.memref_squeeze %dma_start3A_317 : memref<1x128x64xf32, #tpu.memory_space<vmem>> -> memref<128x64xf32, #tpu.memory_space<vmem>>
      %dma_start3A_319 = arith.constant 0 : i32
      %dma_start3A_320 = tpu.memref_slice %arg6[%add3A_313, %dma_start3A_319] : memref<204800x64xf32, #tpu.memory_space<hbm>> -> memref<128x64xf32, #tpu.memory_space<hbm>>
      %dma_start3A_321 = arith.constant 0 : i32
      %dma_start3A_322 = tpu.memref_slice %arg6[%add3A_313, %dma_start3A_321] : memref<204800x64xf32, #tpu.memory_space<hbm>> -> memref<128x64xf32, #tpu.memory_space<hbm>>
      %dma_start3A_323 = arith.constant 0 : i32
      %dma_start3A_324 = arith.constant 0 : i32
      %dma_start3A_325 = tpu.memref_slice %arg9[%dma_start3A_314, %dma_start3A_323, %dma_start3A_324] : memref<5x128x64xf32, #tpu.memory_space<vmem>> -> memref<1x128x64xf32, #tpu.memory_space<vmem>>
      %dma_start3A_326 = tpu.memref_squeeze %dma_start3A_325 : memref<1x128x64xf32, #tpu.memory_space<vmem>> -> memref<128x64xf32, #tpu.memory_space<vmem>>
      tpu.enqueue_dma source(%dma_start3A_326 : memref<128x64xf32, #tpu.memory_space<vmem>>) target(%dma_start3A_322 : memref<128x64xf32, #tpu.memory_space<hbm>>) target_semaphore(%arg13 : memref<!tpu.dma_semaphore, #tpu.memory_space<semaphore_mem>>)
      %dma_wait3A_327 = arith.constant 2 : i32
      %dma_wait3A_328 = arith.constant 0 : i32
      %dma_wait3A_329 = arith.constant 0 : i32
      %dma_wait3A_330 = tpu.memref_slice %arg9[%dma_wait3A_327, %dma_wait3A_328, %dma_wait3A_329] : memref<5x128x64xf32, #tpu.memory_space<vmem>> -> memref<1x128x64xf32, #tpu.memory_space<vmem>>
      %dma_wait3A_331 = tpu.memref_squeeze %dma_wait3A_330 : memref<1x128x64xf32, #tpu.memory_space<vmem>> -> memref<128x64xf32, #tpu.memory_space<vmem>>
      %dma_wait3A_332 = tpu.memref_slice %arg8[%mul3A_219] : memref<6400xi32, #tpu.memory_space<vmem>> -> memref<128xi32, #tpu.memory_space<vmem>>
      %dma_wait3A_333 = arith.constant 0 : i32
      %dma_wait3A_334 = arith.constant 0 : i32
      %dma_wait3A_335 = tpu.memref_slice %arg10[%dma_wait3A_333, %dma_wait3A_334] : memref<2048x64xf32, #tpu.memory_space<vmem_shared>> -> memref<2048x64xf32, #tpu.memory_space<vmem_shared>>
      tpu.wait_indirect_dma semaphore(%arg12 : memref<!tpu.dma_semaphore, #tpu.memory_space<semaphore_mem>>) src(%dma_wait3A_335 : memref<2048x64xf32, #tpu.memory_space<vmem_shared>>) dst(%dma_wait3A_331 : memref<128x64xf32, #tpu.memory_space<vmem>>)
      %add3A_336 = arith.constant 2 : i32
      %add3A_337 = arith.addi %mul3A_93, %add3A_336 : i32
      %mul3A_338 = arith.constant 128 : i32
      %mul3A_339 = arith.muli %add3A_337, %mul3A_338 : i32
      %add3A_340 = arith.addi %mul3A_2, %mul3A_339 : i32
      %dma_start3A_341 = arith.constant 2 : i32
      %dma_start3A_342 = arith.constant 0 : i32
      %dma_start3A_343 = arith.constant 0 : i32
      %dma_start3A_344 = tpu.memref_slice %arg9[%dma_start3A_341, %dma_start3A_342, %dma_start3A_343] : memref<5x128x64xf32, #tpu.memory_space<vmem>> -> memref<1x128x64xf32, #tpu.memory_space<vmem>>
      %dma_start3A_345 = tpu.memref_squeeze %dma_start3A_344 : memref<1x128x64xf32, #tpu.memory_space<vmem>> -> memref<128x64xf32, #tpu.memory_space<vmem>>
      %dma_start3A_346 = arith.constant 0 : i32
      %dma_start3A_347 = tpu.memref_slice %arg6[%add3A_340, %dma_start3A_346] : memref<204800x64xf32, #tpu.memory_space<hbm>> -> memref<128x64xf32, #tpu.memory_space<hbm>>
      %dma_start3A_348 = arith.constant 0 : i32
      %dma_start3A_349 = tpu.memref_slice %arg6[%add3A_340, %dma_start3A_348] : memref<204800x64xf32, #tpu.memory_space<hbm>> -> memref<128x64xf32, #tpu.memory_space<hbm>>
      %dma_start3A_350 = arith.constant 0 : i32
      %dma_start3A_351 = arith.constant 0 : i32
      %dma_start3A_352 = tpu.memref_slice %arg9[%dma_start3A_341, %dma_start3A_350, %dma_start3A_351] : memref<5x128x64xf32, #tpu.memory_space<vmem>> -> memref<1x128x64xf32, #tpu.memory_space<vmem>>
      %dma_start3A_353 = tpu.memref_squeeze %dma_start3A_352 : memref<1x128x64xf32, #tpu.memory_space<vmem>> -> memref<128x64xf32, #tpu.memory_space<vmem>>
      tpu.enqueue_dma source(%dma_start3A_353 : memref<128x64xf32, #tpu.memory_space<vmem>>) target(%dma_start3A_349 : memref<128x64xf32, #tpu.memory_space<hbm>>) target_semaphore(%arg13 : memref<!tpu.dma_semaphore, #tpu.memory_space<semaphore_mem>>)
      %dma_wait3A_354 = arith.constant 3 : i32
      %dma_wait3A_355 = arith.constant 0 : i32
      %dma_wait3A_356 = arith.constant 0 : i32
      %dma_wait3A_357 = tpu.memref_slice %arg9[%dma_wait3A_354, %dma_wait3A_355, %dma_wait3A_356] : memref<5x128x64xf32, #tpu.memory_space<vmem>> -> memref<1x128x64xf32, #tpu.memory_space<vmem>>
      %dma_wait3A_358 = tpu.memref_squeeze %dma_wait3A_357 : memref<1x128x64xf32, #tpu.memory_space<vmem>> -> memref<128x64xf32, #tpu.memory_space<vmem>>
      %dma_wait3A_359 = tpu.memref_slice %arg8[%mul3A_241] : memref<6400xi32, #tpu.memory_space<vmem>> -> memref<128xi32, #tpu.memory_space<vmem>>
      %dma_wait3A_360 = arith.constant 0 : i32
      %dma_wait3A_361 = arith.constant 0 : i32
      %dma_wait3A_362 = tpu.memref_slice %arg10[%dma_wait3A_360, %dma_wait3A_361] : memref<2048x64xf32, #tpu.memory_space<vmem_shared>> -> memref<2048x64xf32, #tpu.memory_space<vmem_shared>>
      tpu.wait_indirect_dma semaphore(%arg12 : memref<!tpu.dma_semaphore, #tpu.memory_space<semaphore_mem>>) src(%dma_wait3A_362 : memref<2048x64xf32, #tpu.memory_space<vmem_shared>>) dst(%dma_wait3A_358 : memref<128x64xf32, #tpu.memory_space<vmem>>)
      %add3A_363 = arith.constant 3 : i32
      %add3A_364 = arith.addi %mul3A_93, %add3A_363 : i32
      %mul3A_365 = arith.constant 128 : i32
      %mul3A_366 = arith.muli %add3A_364, %mul3A_365 : i32
      %add3A_367 = arith.addi %mul3A_2, %mul3A_366 : i32
      %dma_start3A_368 = arith.constant 3 : i32
      %dma_start3A_369 = arith.constant 0 : i32
      %dma_start3A_370 = arith.constant 0 : i32
      %dma_start3A_371 = tpu.memref_slice %arg9[%dma_start3A_368, %dma_start3A_369, %dma_start3A_370] : memref<5x128x64xf32, #tpu.memory_space<vmem>> -> memref<1x128x64xf32, #tpu.memory_space<vmem>>
      %dma_start3A_372 = tpu.memref_squeeze %dma_start3A_371 : memref<1x128x64xf32, #tpu.memory_space<vmem>> -> memref<128x64xf32, #tpu.memory_space<vmem>>
      %dma_start3A_373 = arith.constant 0 : i32
      %dma_start3A_374 = tpu.memref_slice %arg6[%add3A_367, %dma_start3A_373] : memref<204800x64xf32, #tpu.memory_space<hbm>> -> memref<128x64xf32, #tpu.memory_space<hbm>>
      %dma_start3A_375 = arith.constant 0 : i32
      %dma_start3A_376 = tpu.memref_slice %arg6[%add3A_367, %dma_start3A_375] : memref<204800x64xf32, #tpu.memory_space<hbm>> -> memref<128x64xf32, #tpu.memory_space<hbm>>
      %dma_start3A_377 = arith.constant 0 : i32
      %dma_start3A_378 = arith.constant 0 : i32
      %dma_start3A_379 = tpu.memref_slice %arg9[%dma_start3A_368, %dma_start3A_377, %dma_start3A_378] : memref<5x128x64xf32, #tpu.memory_space<vmem>> -> memref<1x128x64xf32, #tpu.memory_space<vmem>>
      %dma_start3A_380 = tpu.memref_squeeze %dma_start3A_379 : memref<1x128x64xf32, #tpu.memory_space<vmem>> -> memref<128x64xf32, #tpu.memory_space<vmem>>
      tpu.enqueue_dma source(%dma_start3A_380 : memref<128x64xf32, #tpu.memory_space<vmem>>) target(%dma_start3A_376 : memref<128x64xf32, #tpu.memory_space<hbm>>) target_semaphore(%arg13 : memref<!tpu.dma_semaphore, #tpu.memory_space<semaphore_mem>>)
      %dma_wait3A_381 = arith.constant 4 : i32
      %dma_wait3A_382 = arith.constant 0 : i32
      %dma_wait3A_383 = arith.constant 0 : i32
      %dma_wait3A_384 = tpu.memref_slice %arg9[%dma_wait3A_381, %dma_wait3A_382, %dma_wait3A_383] : memref<5x128x64xf32, #tpu.memory_space<vmem>> -> memref<1x128x64xf32, #tpu.memory_space<vmem>>
      %dma_wait3A_385 = tpu.memref_squeeze %dma_wait3A_384 : memref<1x128x64xf32, #tpu.memory_space<vmem>> -> memref<128x64xf32, #tpu.memory_space<vmem>>
      %dma_wait3A_386 = tpu.memref_slice %arg8[%mul3A_263] : memref<6400xi32, #tpu.memory_space<vmem>> -> memref<128xi32, #tpu.memory_space<vmem>>
      %dma_wait3A_387 = arith.constant 0 : i32
      %dma_wait3A_388 = arith.constant 0 : i32
      %dma_wait3A_389 = tpu.memref_slice %arg10[%dma_wait3A_387, %dma_wait3A_388] : memref<2048x64xf32, #tpu.memory_space<vmem_shared>> -> memref<2048x64xf32, #tpu.memory_space<vmem_shared>>
      tpu.wait_indirect_dma semaphore(%arg12 : memref<!tpu.dma_semaphore, #tpu.memory_space<semaphore_mem>>) src(%dma_wait3A_389 : memref<2048x64xf32, #tpu.memory_space<vmem_shared>>) dst(%dma_wait3A_385 : memref<128x64xf32, #tpu.memory_space<vmem>>)
      %add3A_390 = arith.constant 4 : i32
      %add3A_391 = arith.addi %mul3A_93, %add3A_390 : i32
      %mul3A_392 = arith.constant 128 : i32
      %mul3A_393 = arith.muli %add3A_391, %mul3A_392 : i32
      %add3A_394 = arith.addi %mul3A_2, %mul3A_393 : i32
      %dma_start3A_395 = arith.constant 4 : i32
      %dma_start3A_396 = arith.constant 0 : i32
      %dma_start3A_397 = arith.constant 0 : i32
      %dma_start3A_398 = tpu.memref_slice %arg9[%dma_start3A_395, %dma_start3A_396, %dma_start3A_397] : memref<5x128x64xf32, #tpu.memory_space<vmem>> -> memref<1x128x64xf32, #tpu.memory_space<vmem>>
      %dma_start3A_399 = tpu.memref_squeeze %dma_start3A_398 : memref<1x128x64xf32, #tpu.memory_space<vmem>> -> memref<128x64xf32, #tpu.memory_space<vmem>>
      %dma_start3A_400 = arith.constant 0 : i32
      %dma_start3A_401 = tpu.memref_slice %arg6[%add3A_394, %dma_start3A_400] : memref<204800x64xf32, #tpu.memory_space<hbm>> -> memref<128x64xf32, #tpu.memory_space<hbm>>
      %dma_start3A_402 = arith.constant 0 : i32
      %dma_start3A_403 = tpu.memref_slice %arg6[%add3A_394, %dma_start3A_402] : memref<204800x64xf32, #tpu.memory_space<hbm>> -> memref<128x64xf32, #tpu.memory_space<hbm>>
      %dma_start3A_404 = arith.constant 0 : i32
      %dma_start3A_405 = arith.constant 0 : i32
      %dma_start3A_406 = tpu.memref_slice %arg9[%dma_start3A_395, %dma_start3A_404, %dma_start3A_405] : memref<5x128x64xf32, #tpu.memory_space<vmem>> -> memref<1x128x64xf32, #tpu.memory_space<vmem>>
      %dma_start3A_407 = tpu.memref_squeeze %dma_start3A_406 : memref<1x128x64xf32, #tpu.memory_space<vmem>> -> memref<128x64xf32, #tpu.memory_space<vmem>>
      tpu.enqueue_dma source(%dma_start3A_407 : memref<128x64xf32, #tpu.memory_space<vmem>>) target(%dma_start3A_403 : memref<128x64xf32, #tpu.memory_space<hbm>>) target_semaphore(%arg13 : memref<!tpu.dma_semaphore, #tpu.memory_space<semaphore_mem>>)
    }
    %scan3A_15 = arith.constant 10 : i32
    %add3A_16 = arith.constant 5760 : i32
    %add3A_17 = arith.addi %mul3A_2, %add3A_16 : i32
    %dma_wait3A_18 = arith.constant 0 : i32
    %dma_wait3A_19 = arith.constant 0 : i32
    %dma_wait3A_20 = arith.constant 0 : i32
    %dma_wait3A_21 = tpu.memref_slice %arg9[%dma_wait3A_18, %dma_wait3A_19, %dma_wait3A_20] : memref<5x128x64xf32, #tpu.memory_space<vmem>> -> memref<1x128x64xf32, #tpu.memory_space<vmem>>
    %dma_wait3A_22 = tpu.memref_squeeze %dma_wait3A_21 : memref<1x128x64xf32, #tpu.memory_space<vmem>> -> memref<128x64xf32, #tpu.memory_space<vmem>>
    %dma_wait3A_23 = arith.constant 0 : i32
    %dma_wait3A_24 = tpu.memref_slice %arg6[%add3A_17, %dma_wait3A_23] : memref<204800x64xf32, #tpu.memory_space<hbm>> -> memref<128x64xf32, #tpu.memory_space<hbm>>
    %dma_wait3A_25 = arith.constant 0 : i32
    %dma_wait3A_26 = tpu.memref_slice %arg6[%add3A_17, %dma_wait3A_25] : memref<204800x64xf32, #tpu.memory_space<hbm>> -> memref<128x64xf32, #tpu.memory_space<hbm>>
    %dma_wait3A_27 = arith.constant 0 : i32
    %dma_wait3A_28 = arith.constant 0 : i32
    %dma_wait3A_29 = tpu.memref_slice %arg9[%dma_wait3A_18, %dma_wait3A_27, %dma_wait3A_28] : memref<5x128x64xf32, #tpu.memory_space<vmem>> -> memref<1x128x64xf32, #tpu.memory_space<vmem>>
    %dma_wait3A_30 = tpu.memref_squeeze %dma_wait3A_29 : memref<1x128x64xf32, #tpu.memory_space<vmem>> -> memref<128x64xf32, #tpu.memory_space<vmem>>
    tpu.wait_dma2 semaphore(%arg13 : memref<!tpu.dma_semaphore, #tpu.memory_space<semaphore_mem>>) src(%dma_wait3A_30 : memref<128x64xf32, #tpu.memory_space<vmem>>) dst(%dma_wait3A_26 : memref<128x64xf32, #tpu.memory_space<hbm>>)
    %add3A_31 = arith.constant 5888 : i32
    %add3A_32 = arith.addi %mul3A_2, %add3A_31 : i32
    %dma_wait3A_33 = arith.constant 1 : i32
    %dma_wait3A_34 = arith.constant 0 : i32
    %dma_wait3A_35 = arith.constant 0 : i32
    %dma_wait3A_36 = tpu.memref_slice %arg9[%dma_wait3A_33, %dma_wait3A_34, %dma_wait3A_35] : memref<5x128x64xf32, #tpu.memory_space<vmem>> -> memref<1x128x64xf32, #tpu.memory_space<vmem>>
    %dma_wait3A_37 = tpu.memref_squeeze %dma_wait3A_36 : memref<1x128x64xf32, #tpu.memory_space<vmem>> -> memref<128x64xf32, #tpu.memory_space<vmem>>
    %dma_wait3A_38 = arith.constant 0 : i32
    %dma_wait3A_39 = tpu.memref_slice %arg6[%add3A_32, %dma_wait3A_38] : memref<204800x64xf32, #tpu.memory_space<hbm>> -> memref<128x64xf32, #tpu.memory_space<hbm>>
    %dma_wait3A_40 = arith.constant 0 : i32
    %dma_wait3A_41 = tpu.memref_slice %arg6[%add3A_32, %dma_wait3A_40] : memref<204800x64xf32, #tpu.memory_space<hbm>> -> memref<128x64xf32, #tpu.memory_space<hbm>>
    %dma_wait3A_42 = arith.constant 0 : i32
    %dma_wait3A_43 = arith.constant 0 : i32
    %dma_wait3A_44 = tpu.memref_slice %arg9[%dma_wait3A_33, %dma_wait3A_42, %dma_wait3A_43] : memref<5x128x64xf32, #tpu.memory_space<vmem>> -> memref<1x128x64xf32, #tpu.memory_space<vmem>>
    %dma_wait3A_45 = tpu.memref_squeeze %dma_wait3A_44 : memref<1x128x64xf32, #tpu.memory_space<vmem>> -> memref<128x64xf32, #tpu.memory_space<vmem>>
    tpu.wait_dma2 semaphore(%arg13 : memref<!tpu.dma_semaphore, #tpu.memory_space<semaphore_mem>>) src(%dma_wait3A_45 : memref<128x64xf32, #tpu.memory_space<vmem>>) dst(%dma_wait3A_41 : memref<128x64xf32, #tpu.memory_space<hbm>>)
    %add3A_46 = arith.constant 6016 : i32
    %add3A_47 = arith.addi %mul3A_2, %add3A_46 : i32
    %dma_wait3A_48 = arith.constant 2 : i32
    %dma_wait3A_49 = arith.constant 0 : i32
    %dma_wait3A_50 = arith.constant 0 : i32
    %dma_wait3A_51 = tpu.memref_slice %arg9[%dma_wait3A_48, %dma_wait3A_49, %dma_wait3A_50] : memref<5x128x64xf32, #tpu.memory_space<vmem>> -> memref<1x128x64xf32, #tpu.memory_space<vmem>>
    %dma_wait3A_52 = tpu.memref_squeeze %dma_wait3A_51 : memref<1x128x64xf32, #tpu.memory_space<vmem>> -> memref<128x64xf32, #tpu.memory_space<vmem>>
    %dma_wait3A_53 = arith.constant 0 : i32
    %dma_wait3A_54 = tpu.memref_slice %arg6[%add3A_47, %dma_wait3A_53] : memref<204800x64xf32, #tpu.memory_space<hbm>> -> memref<128x64xf32, #tpu.memory_space<hbm>>
    %dma_wait3A_55 = arith.constant 0 : i32
    %dma_wait3A_56 = tpu.memref_slice %arg6[%add3A_47, %dma_wait3A_55] : memref<204800x64xf32, #tpu.memory_space<hbm>> -> memref<128x64xf32, #tpu.memory_space<hbm>>
    %dma_wait3A_57 = arith.constant 0 : i32
    %dma_wait3A_58 = arith.constant 0 : i32
    %dma_wait3A_59 = tpu.memref_slice %arg9[%dma_wait3A_48, %dma_wait3A_57, %dma_wait3A_58] : memref<5x128x64xf32, #tpu.memory_space<vmem>> -> memref<1x128x64xf32, #tpu.memory_space<vmem>>
    %dma_wait3A_60 = tpu.memref_squeeze %dma_wait3A_59 : memref<1x128x64xf32, #tpu.memory_space<vmem>> -> memref<128x64xf32, #tpu.memory_space<vmem>>
    tpu.wait_dma2 semaphore(%arg13 : memref<!tpu.dma_semaphore, #tpu.memory_space<semaphore_mem>>) src(%dma_wait3A_60 : memref<128x64xf32, #tpu.memory_space<vmem>>) dst(%dma_wait3A_56 : memref<128x64xf32, #tpu.memory_space<hbm>>)
    %add3A_61 = arith.constant 6144 : i32
    %add3A_62 = arith.addi %mul3A_2, %add3A_61 : i32
    %dma_wait3A_63 = arith.constant 3 : i32
    %dma_wait3A_64 = arith.constant 0 : i32
    %dma_wait3A_65 = arith.constant 0 : i32
    %dma_wait3A_66 = tpu.memref_slice %arg9[%dma_wait3A_63, %dma_wait3A_64, %dma_wait3A_65] : memref<5x128x64xf32, #tpu.memory_space<vmem>> -> memref<1x128x64xf32, #tpu.memory_space<vmem>>
    %dma_wait3A_67 = tpu.memref_squeeze %dma_wait3A_66 : memref<1x128x64xf32, #tpu.memory_space<vmem>> -> memref<128x64xf32, #tpu.memory_space<vmem>>
    %dma_wait3A_68 = arith.constant 0 : i32
    %dma_wait3A_69 = tpu.memref_slice %arg6[%add3A_62, %dma_wait3A_68] : memref<204800x64xf32, #tpu.memory_space<hbm>> -> memref<128x64xf32, #tpu.memory_space<hbm>>
    %dma_wait3A_70 = arith.constant 0 : i32
    %dma_wait3A_71 = tpu.memref_slice %arg6[%add3A_62, %dma_wait3A_70] : memref<204800x64xf32, #tpu.memory_space<hbm>> -> memref<128x64xf32, #tpu.memory_space<hbm>>
    %dma_wait3A_72 = arith.constant 0 : i32
    %dma_wait3A_73 = arith.constant 0 : i32
    %dma_wait3A_74 = tpu.memref_slice %arg9[%dma_wait3A_63, %dma_wait3A_72, %dma_wait3A_73] : memref<5x128x64xf32, #tpu.memory_space<vmem>> -> memref<1x128x64xf32, #tpu.memory_space<vmem>>
    %dma_wait3A_75 = tpu.memref_squeeze %dma_wait3A_74 : memref<1x128x64xf32, #tpu.memory_space<vmem>> -> memref<128x64xf32, #tpu.memory_space<vmem>>
    tpu.wait_dma2 semaphore(%arg13 : memref<!tpu.dma_semaphore, #tpu.memory_space<semaphore_mem>>) src(%dma_wait3A_75 : memref<128x64xf32, #tpu.memory_space<vmem>>) dst(%dma_wait3A_71 : memref<128x64xf32, #tpu.memory_space<hbm>>)
    %add3A_76 = arith.constant 6272 : i32
    %add3A_77 = arith.addi %mul3A_2, %add3A_76 : i32
    %dma_wait3A_78 = arith.constant 4 : i32
    %dma_wait3A_79 = arith.constant 0 : i32
    %dma_wait3A_80 = arith.constant 0 : i32
    %dma_wait3A_81 = tpu.memref_slice %arg9[%dma_wait3A_78, %dma_wait3A_79, %dma_wait3A_80] : memref<5x128x64xf32, #tpu.memory_space<vmem>> -> memref<1x128x64xf32, #tpu.memory_space<vmem>>
    %dma_wait3A_82 = tpu.memref_squeeze %dma_wait3A_81 : memref<1x128x64xf32, #tpu.memory_space<vmem>> -> memref<128x64xf32, #tpu.memory_space<vmem>>
    %dma_wait3A_83 = arith.constant 0 : i32
    %dma_wait3A_84 = tpu.memref_slice %arg6[%add3A_77, %dma_wait3A_83] : memref<204800x64xf32, #tpu.memory_space<hbm>> -> memref<128x64xf32, #tpu.memory_space<hbm>>
    %dma_wait3A_85 = arith.constant 0 : i32
    %dma_wait3A_86 = tpu.memref_slice %arg6[%add3A_77, %dma_wait3A_85] : memref<204800x64xf32, #tpu.memory_space<hbm>> -> memref<128x64xf32, #tpu.memory_space<hbm>>
    %dma_wait3A_87 = arith.constant 0 : i32
    %dma_wait3A_88 = arith.constant 0 : i32
    %dma_wait3A_89 = tpu.memref_slice %arg9[%dma_wait3A_78, %dma_wait3A_87, %dma_wait3A_88] : memref<5x128x64xf32, #tpu.memory_space<vmem>> -> memref<1x128x64xf32, #tpu.memory_space<vmem>>
    %dma_wait3A_90 = tpu.memref_squeeze %dma_wait3A_89 : memref<1x128x64xf32, #tpu.memory_space<vmem>> -> memref<128x64xf32, #tpu.memory_space<vmem>>
    tpu.wait_dma2 semaphore(%arg13 : memref<!tpu.dma_semaphore, #tpu.memory_space<semaphore_mem>>) src(%dma_wait3A_90 : memref<128x64xf32, #tpu.memory_space<vmem>>) dst(%dma_wait3A_86 : memref<128x64xf32, #tpu.memory_space<hbm>>)
    return
  }
}

</mosaic_0001>

<sc_bundles>
// kernel: kernel.3.cloned.1.call-start
scs
__scs_entry_jumppad:
0x0: {  	(pc) =	sbr.rel $0x88, $3  }
0x1: {  	(tag) =	ssettag $0x0;
	lr =	simm.s32 $0x1  }
0x2: {  	[smem:$0x3F9D] =	sst lr;
	_ =	strace $0xD0000000  }
0x3: {  	_ = 	snop  }
0x4: {  	_ = 	snop  }
0x5: {  	_ = 	snop  }
0x6: {  	_ = 	snop  }
0x7: {  	_ = 	snop  }
__scs_overlays_trampoline_lowered:
0x8: {  	[smem:$0x3FAC] =	sst s0  }
0x9: {  	[smem:$0x3FAD] =	sst s1  }
0xa: {  	[smem:$0x3FAE] =	sst s2  }
0xb: {  	[smem:$0x3FAF] =	sst s3  }
0xc: {  	[smem:$0x3FB0] =	sst s4  }
0xd: {  	[smem:$0x3FB1] =	sst s5  }
0xe: {  	[smem:$0x3FB2] =	sst s6  }
0xf: {  	[smem:$0x3FB3] =	sst s7  }
0x10: {  	[smem:$0x3FB4] =	sst s8  }
0x11: {  	[smem:$0x3FB5] =	sst s9;
	s0 =	simm.s32 @!p0 $0x0  }
0x12: {  	s1 =	sld [smem:$0x3F9B];
	s0 =	simm.s32 @p0 $0x1  }
0x13: {  	[smem:$0x3FB6] =	sst s0;
	s0 =	simm.s32 @!p1 $0x0  }
0x14: {  	s2 =	sld [smem:$0x3F9A];
	s0 =	simm.s32 @p1 $0x1  }
0x15: {  	[smem:$0x3FB7] =	sst s0;
	s0 =	simm.s32 @!p2 $0x0  }
0x16: {  	s3 =	sld [smem:$0x3FDB];
	s0 =	simm.s32 @p2 $0x1  }
0x17: {  	s4 =	simm.s32 $0x1BF5;
	[smem:$0x3FB9] =	sst s0  }
0x18: {  	s0 =	sld [smem:$0x3F9C];
	_ =	swait.ge [sflag:s4], $0x0  }
0x19: {  	s7 =	sld [smem:$0x3F9D]  }
0x1a: {  	s8 =	sadd.s32 $0xFFFFE003, lr  }
0x1b: {  	s9 =	sadd.s32 $0xFFFFFEF7, lr;
	s5 =	simm.s32 $0xFFFFFFFF;
	p2 =	slt.u32 s8, $0xFFFFF086  }
0x1c: {  	p1 =	slt.u32 s9, $0xF7A;
	s5 =	simm.s32 @!p2 $0x0  }
0x1d: {  	s5 =	simm.s32 @p1 $0x1;
	p0 =	seq.s32 s7, s2  }
0x1e: {  	s7 =	smul.u32 @!p0 $0xF7A, s2;
	p2 =	seq.s32 @!p0 s5, $0x0  }
0x1f: {  	s9 =	smul.u32 $0xF7A, s1;
	s8 =	simm.s32 @!p0 $0x1BF5;
	p2 =	por !p2, p0  }
0x20: {  	[sflag:s8] =	ssyncset.s32 @!p0 $0xFFFFF086;
	s6 =	sadd.s32 @!p0 s3, s7;
	s7 =	simm.s32 @!p0 $0x108  }
0x21: {  	s3 =	sadd.s32 s3, s9;
	s6 =	sadd.s32 @!p0 $0x88, s6;
	s7 =	simm.s32 @p2 $0x1082  }
0x22: {  	[simem:s7], [sflag:s8] =	dma.local @!p0 [hbm:s6], $0xF7A  }
0x23: {  	s9 =	sor.u32 $0xD0000000, s2;
	s6 =	simm.s32 $0x108;
	_ =	swait.ge @!p0 [sflag:s8], $0x0  }
0x24: {  	s3 =	sadd.s32 $0x88, s3;
	s6 =	simm.s32 @!p1 $0x1082;
	[sflag:s4] =	ssyncset.s32 $0xFFFFF086  }
0x25: {  	[simem:s6], [sflag:s4] =	dma.local [hbm:s3], $0xF7A  }
0x26: {  	[smem:$0x3F9D] =	sst s1;
	(tag) =	ssettag s2;
	_ =	strace s9  }
0x27: {  	s1 =	sld [smem:$0x3FAD]  }
0x28: {  	s2 =	sld [smem:$0x3FAE]  }
0x29: {  	s4 =	sld [smem:$0x3FB0]  }
0x2a: {  	p0 =	seq.s32 s5, $0x0;
	s5 =	sld [smem:$0x3FB1]  }
0x2b: {  	s6 =	sld [smem:$0x3FB2]  }
0x2c: {  	s7 =	sld [smem:$0x3FB3]  }
0x2d: {  	s3 =	simm.s32 $0x108;
	s8 =	sld [smem:$0x3FB4]  }
0x2e: {  	s3 =	simm.s32 @!p0 $0x1082;
	s9 =	sld [smem:$0x3FB5]  }
0x2f: {  	lr =	sadd.s32 s0, s3;
	s0 =	sld [smem:$0x3FAC]  }
0x30: {  	s3 =	sld [smem:$0x3FAF]  }
0x31: {  	[smem:$0x3FB8] =	sst s10  }
0x32: {  	s10 =	sld [smem:$0x3FB6];
	_ =	sdelay $0x3  }
0x33: {  	p0 =	seq.s32 s10, $0x1;
	s10 =	sld [smem:$0x3FB8];
	_ =	sdelay $0x3  }
0x34: {  	[smem:$0x3FB8] =	sst s10  }
0x35: {  	s10 =	sld [smem:$0x3FB7];
	_ =	sdelay $0x3  }
0x36: {  	p1 =	seq.s32 s10, $0x1;
	s10 =	sld [smem:$0x3FB8];
	_ =	sdelay $0x3  }
0x37: {  	[smem:$0x3FB8] =	sst s10  }
0x38: {  	s10 =	sld [smem:$0x3FB9]  }
0x39: {  	_ = 	snop;
	(pc) =	sbr.ind lr, $3  }
0x3a: {  	_ = 	snop  }
0x3b: {  	_ = 	snop  }
0x3c: {  	p2 =	seq.s32 s10, $0x1;
	s10 =	sld [smem:$0x3FB8]  }
0x3d: {  	_ =	shalt  }
0x3e: {  	_ =	shalt  }
0x3f: {  	_ =	shalt  }
0x40: {  	_ =	shalt  }
0x41: {  	_ =	shalt  }
0x42: {  	_ =	shalt  }
0x43: {  	_ =	shalt  }
0x44: {  	_ =	shalt  }
0x45: {  	_ =	shalt  }
0x46: {  	_ =	shalt  }
0x47: {  	_ =	shalt  }
0x48: {  	_ =	shalt  }
0x49: {  	_ =	shalt  }
0x4a: {  	_ =	shalt  }
0x4b: {  	_ =	shalt  }
0x4c: {  	_ =	shalt  }
0x4d: {  	_ =	shalt  }
0x4e: {  	_ =	shalt  }
0x4f: {  	_ =	shalt  }
0x50: {  	_ =	shalt  }
0x51: {  	_ =	shalt  }
0x52: {  	_ =	shalt  }
0x53: {  	_ =	shalt  }
0x54: {  	_ =	shalt  }
0x55: {  	_ =	shalt  }
0x56: {  	_ =	shalt  }
0x57: {  	_ =	shalt  }
0x58: {  	_ =	shalt  }
0x59: {  	_ =	shalt  }
0x5a: {  	_ =	shalt  }
0x5b: {  	_ =	shalt  }
0x5c: {  	_ =	shalt  }
0x5d: {  	_ =	shalt  }
0x5e: {  	_ =	shalt  }
0x5f: {  	_ =	shalt  }
0x60: {  	_ =	shalt  }
0x61: {  	_ =	shalt  }
0x62: {  	_ =	shalt  }
0x63: {  	_ =	shalt  }
0x64: {  	_ =	shalt  }
0x65: {  	_ =	shalt  }
0x66: {  	_ =	shalt  }
0x67: {  	_ =	shalt  }
0x68: {  	_ =	shalt  }
0x69: {  	_ =	shalt  }
0x6a: {  	_ =	shalt  }
0x6b: {  	_ =	shalt  }
0x6c: {  	_ =	shalt  }
0x6d: {  	_ =	shalt  }
0x6e: {  	_ =	shalt  }
0x6f: {  	_ =	shalt  }
0x70: {  	_ =	shalt  }
0x71: {  	_ =	shalt  }
0x72: {  	_ =	shalt  }
0x73: {  	_ =	shalt  }
0x74: {  	_ =	shalt  }
0x75: {  	_ =	shalt  }
0x76: {  	_ =	shalt  }
0x77: {  	_ =	shalt  }
0x78: {  	_ =	shalt  }
0x79: {  	_ =	shalt  }
0x7a: {  	_ =	shalt  }
0x7b: {  	_ =	shalt  }
0x7c: {  	_ =	shalt  }
0x7d: {  	_ =	shalt  }
0x7e: {  	_ =	shalt  }
0x7f: {  	_ =	shalt  }
0x80: {  	_ =	shalt  }
0x81: {  	_ =	shalt  }
0x82: {  	_ =	shalt  }
0x83: {  	_ =	shalt  }
0x84: {  	_ =	shalt  }
0x85: {  	_ =	shalt  }
0x86: {  	_ =	shalt  }
0x87: {  	_ =	shalt  }
.Lfunc_end0:
.L_simem_size_0:
called_computation.1_lowered:
.L_overlay_start_0:
0x88: {  	s2 =	sld [smem:$0x3FD9]  }
0x89: {  	s3 =	sld [smem:$0x3FFE];
	_ =	sdelay $0x1  }
0x8a: {  	s1 =	srdreg.scid  }
0x8b: {  	s0 =	sand.u32 $0x1, s1  }
0x8c: {  	s17 =	sshll.u32 s0, $0xA;
	s2 =	sadd.s32 s3, s2  }
0x8d: {  	s2 =	sadd.s32 s2, s17  }
0x8e: {  	[smem:$0x3FC4] =	sst s2  }
0x8f: {  	_ = 	snop  }
0x90: {  	s2 =	sld [smem:$0x3FD0];
	(tm) =	ssettm $0x1  }
0x91: {  	s18 =	sld [smem:$0x3FFB];
	_ =	sdelay $0x3  }
0x92: {  	_ =	strace s18  }
0x93: {  	s3 =	sld [smem:$0x3FFC];
	_ =	sdelay $0x3  }
0x94: {  	_ =	strace s3  }
0x95: {  	s3 =	sld [smem:$0x3FFD];
	_ =	sdelay $0x3  }
0x96: {  	_ =	strace s3  }
0x97: {  	_ =	strace $0x8FFFFFFF  }
0x98: {  	s19 =	sld [smem:$0x3FDB];
	_ =	sdelay $0x1  }
0x99: {  	s4 =	simm.s32 $_scs_section_size  }
0x9a: {  	s5 =	simm.s32 $_size__tile_overlayer_lowered;
	s6 =	simm.s32 $_tile_overlayer_lowered  }
0x9b: {  	s22 =	simm.s32 $0x1BFF;
	s21 =	sshll.u32 s6, $0x1;
	s3 =	sadd.s32 s4, s19  }
0x9c: {  	s7 =	simm.s32 $0x0;
	s20 =	sshll.u32 s5, $0x1;
	s5 =	sadd.s32 s21, s3  }
0x9d: {  	[timem:s7], [sflag:s22] =	dma.local [hbm:s5], s20  }
0x9e: {  	_ =	swait.ge [sflag:s22], s20  }
0x9f: {  	s4 =	ssub.s32 $0x0, s20;
	[sflag:s22] =	ssyncset.done $0x0  }
0xa0: {  	[sflag:s22] =	ssyncadd.s32 s4;
	_ =	sdelay $0x1  }
0xa1: {  	s23 =	simm.s32 $0x1B8B  }
0xa2: {  	_ =	swait.ge [sflag:s23], $0x1  }
0xa3: {  	[sflag:s23] =	ssyncset.done $0x0  }
0xa4: {  	s25 =	simm.s32 $0x1B8E;
	s24 =	sld [smem:$0x3FFE];
	[sflag:s23] =	ssyncadd.s32 $0xFFFFFFFF  }
0xa5: {  	s26 =	simm.s32 $execute0_lowered;
	[smem:$0x3FD2] =	sst s25  }
0xa6: {  	s5 =	sshll.u32 s26, $0x1;
	_ =	strace $0x80000046;
	[dreg:$0x1] =	wrdreg $0xFFFFFFFF  }
0xa7: {  	s28 =	simm.s32 $_size_execute0_lowered;
	s3 =	sadd.s32 s3, s5;
	[dreg:$0x0] =	wrdreg $0x0  }
0xa8: {  	s5 =	sshll.u32 s28, $0x1;
	[dreg:$0x2] =	wrdreg s3  }
0xa9: {  	[dreg:$0x3] =	wrdreg s5  }
0xaa: {  	[dreg:$0x4] =	wrdreg $0xC0  }
0xab: {  	_ =	task [dreg:s7], $0x5FFFF  }
0xac: {  	[dreg:$0x1] =	wrdreg $0xFFFFFFFF  }
0xad: {  	[dreg:$0x0] =	wrdreg $0x60  }
0xae: {  	[dreg:$0x2] =	wrdreg s24  }
0xaf: {  	[dreg:$0x3] =	wrdreg s2  }
0xb0: {  	[dreg:$0x4] =	wrdreg $0xD2000  }
0xb1: {  	[dreg:$0x5] =	wrdreg $0x9  }
0xb2: {  	_ =	task.clear_ibuf [dreg:s7], $0x6FFFF;
	_ =	strace $0x90000046  }
0xb3: {  	s29 =	simm.s32 $0x9;
	_ =	strace $0x80000048  }
0xb4: {  	_ =	swait.ge [sflag:s29], $0x1  }
0xb5: {  	[sflag:s29] =	ssyncadd.s32 $0xFFFFFFFF  }
0xb6: {  	_ =	strace $0x90000048  }
0xb7: {  	_ =	sfence  }
0xb8: {  	s30 =	sld [smem:$0x0];
	_ =	sdelay $0x2  }
0xb9: {  	s31 =	sshll.u32 s1, $0xD;
	s1 =	sshrl.u32 s1, $0x2  }
0xba: {  	s3 =	sand.u32 $0x4000, s31;
	s1 =	sadd.s32 s1, s30  }
0xbb: {  	s0 =	sor.u32 s3, s0;
	s1 =	sshll.u32 s1, $0x11  }
0xbc: {  	s0 =	sor.u32 s1, s0  }
0xbd: {  	s0 =	sadd.s32 $0x8F2B, s0  }
0xbe: {  	[sflag:s0] =	ssyncadd.remote.s32 $0x1  }
0xbf: {  	_ =	sfence.sel $0xFFFF  }
0xc0: {  	[dreg:$0x0] =	wrdreg $0xFFFFFFFF;
	(pc) =	sbr.abs _section_cstart, $3  }
0xc1: {  	[dreg:$0x1] =	wrdreg $0xFFFFFFFF  }
0xc2: {  	_ =	task.clear_ibuf [dreg:s7], $0x2FFFF;
	_ =	strace $0x9FFFFFFF  }
0xc3: {  	(tm) =	ssettm $0x7FFFFFFF  }
tec
execute0_lowered:
.L_overlay_start_1:
0x0: {  	(tag) =	ssettag $0x1  }
0x1: {  	s0 =	rddreg [dreg:$0x0];
	s1 =	srdreg.scid  }
0x2: {  	s8 =	stileid.u32;
	s11 =	rddreg [dreg:$0x1]  }
0x3: {  	s15 =	simm.s32 $0x1;
	s16 =	simm.s32 $0x80;
	s17 =	simm.s32 $0x3200  }
0x4: {  	s18 =	simm.s32 $0x5200;
	s19 =	simm.s32 $0x7200;
	s20 =	simm.s32 $0x9200  }
0x5: {  	s21 =	simm.s32 $0xB200;
	s22 =	simm.s32 $0x2;
	s23 =	simm.s32 $0x3  }
0x6: {  	s24 =	simm.s32 $0x0;
	s9 =	sand.u32 $0x1, s1;
	s5 =	smul.u32 $0x3200, s8  }
0x7: {  	s2 =	sshll.u32 s8, $0x1;
	s1 =	rddreg [dreg:$0x2];
	s14 =	smul.u32 $0x19000, s8  }
0x8: {  	p0 =	sne.s32 s8, $0x0;
	s3 =	sor.u32 s9, s2;
	s6 =	smul.u32 $0x1900, s9  }
0x9: {  	s2 =	simm.s32 $0x0;
	s10 =	ssub.s32 $0x2, s9;
	s3 =	smul.u32 $0x1900, s3  }
0xa: {  	s31 =	smul.u32 $0xC800, s9;
	[smem:$0x7FF] =	sst s2;
	s29 =	sshrl.u32 s10, $0x1  }
0xb: {  	s14 =	sadd.s32 s14, s11;
	s6 =	sadd.s32 s6, s5;
	s3 =	sshrl.u32 s3, $0x3  }
0xc: {  	_ =	strace $0x80000047;
	s30 =	sshll.u32 s6, $0x3;
	s7 =	sadd.s32 s3, s0  }
0xd: {  	s3 =	sadd.s32 $0xF43200, s0;
	s0 =	sadd.s32 $0xD600, s0;
	s12 =	sadd.s32 s30, s11  }
0xe: {  	[dreg:$0x4] =	wrdreg s0;
	s0 =	ssub.s32 s10, s29;
	s4 =	sadd.s32 $0x7200, s7  }
0xf: {  	s6 =	sadd.s32 $0xE00, s7;
	s13 =	sadd.s32 $0x1000, s12;
	s9 =	sadd.s32 $0xC00, s12  }
0x10: {  	s10 =	sadd.s32 $0x800, s12;
	s11 =	sadd.s32 $0x400, s12;
	s12 =	sadd.s32 s31, s14  }
0x11: {  	s14 =	sshrl.u32 @!p0 s1, $0x3;
	[dreg:$0x5] =	wrdreg s4;
	s7 =	smax.u32 s0, $0x1  }
.LBB2_1:
0x12: {  	s0 =	rddreg [dreg:$0x5]  }
0x13: {  	[tilespmem:s2], [sflag:$0x1] =	stream.linear.gather [hbm4b:s0+s2], $0x1900, $0x38;
	[tilespmem:$0xF200] =	vst v63  }
0x14: {  	s26 =	simm.s32 $0x1900;
	s4 =	rddreg [dreg:$0x4];
	s0 =	simm.s32 @!p0 $0x1C04  }
0x15: {  	[tilespmem:s26], [sflag:$0x1] =	stream.linear.gather [hbm4b:s6+s2], $0x1900, $0x38;
	[tilespmem:$0xF200] =	vst v63  }
0x16: {  	[spmem:s14], [sflag:s0] =	dma.local @!p0 [hbm:s4], $0x4000  }
0x17: {  	s0 =	simm.s32 @!p0 $0x4  }
0x18: {  	_ =	swait.ge @!p0 [sflag:s0], $0x4000  }
0x19: {  	[sflag:s0] =	ssyncset.done @!p0 $0x0  }
0x1a: {  	[sflag:s0] =	ssyncadd.s32 @!p0 $0xFFFFC000  }
0x1b: {  	_ =	swait.ge [sflag:s15], $0x1900  }
0x1c: {  	[sflag:s15] =	ssyncset.done $0x0  }
0x1d: {  	[sflag:s15] =	ssyncadd.s32 $0xFFFFE700  }
0x1e: {  	_ =	swait.ge [sflag:s15], $0x1900  }
0x1f: {  	[sflag:s15] =	ssyncset.done $0x0  }
0x20: {  	p1 =	por $0x1, $0x1;
	[sflag:s15] =	ssyncadd.s32 $0xFFFFE700  }
0x21: {  	s0 =	simm.s32 @!p1 $0x3;
	[bflag:$0x0] =	sbarrier.arrive $0xFFFF  }
0x22: {  	_ =	swait.ge @!p1 [sflag:s0], $0x2000  }
0x23: {  	[sflag:s0] =	ssyncset.done @!p1 $0x0  }
0x24: {  	[sflag:s0] =	ssyncadd.s32 @!p1 $0xFFFFE000  }
0x25: {  	_ =	swait.ge @!p1 [sflag:s0], $0x2000  }
0x26: {  	[sflag:s0] =	ssyncset.done @!p1 $0x0  }
0x27: {  	[sflag:s0] =	ssyncadd.s32 @!p1 $0xFFFFE000  }
0x28: {  	_ =	swait.ge @!p1 [sflag:s0], $0x2000  }
0x29: {  	[sflag:s0] =	ssyncset.done @!p1 $0x0  }
0x2a: {  	[sflag:s0] =	ssyncadd.s32 @!p1 $0xFFFFE000  }
0x2b: {  	_ =	swait.ge @!p1 [sflag:s0], $0x2000  }
0x2c: {  	[sflag:s0] =	ssyncset.done @!p1 $0x0  }
0x2d: {  	[sflag:s0] =	ssyncadd.s32 @!p1 $0xFFFFE000  }
0x2e: {  	_ =	swait.ge @!p1 [sflag:s0], $0x2000  }
0x2f: {  	[sflag:s0] =	ssyncset.done @!p1 $0x0  }
0x30: {  	s4 =	simm.s32 $0x0;
	[sflag:s0] =	ssyncadd.s32 @!p1 $0xFFFFE000  }
0x31: {  	[tilespmem:s17], [sflag:$0x1] =	stream.indirect.gather [hbm4b:s3+s16], $0x40, s4, s16, $0xb8;
	[tilespmem:$0xF200] =	vst v63  }
0x32: {  	s5 =	simm.s32 $0x80  }
0x33: {  	[tilespmem:s18], [sflag:$0x1] =	stream.indirect.gather [hbm4b:s3+s16], $0x40, s5, s16, $0xb8;
	[tilespmem:$0xF200] =	vst v63  }
0x34: {  	s8 =	simm.s32 $0x100  }
0x35: {  	[tilespmem:s19], [sflag:$0x1] =	stream.indirect.gather [hbm4b:s3+s16], $0x40, s8, s16, $0xb8;
	[tilespmem:$0xF200] =	vst v63  }
0x36: {  	s25 =	simm.s32 $0x180  }
0x37: {  	[tilespmem:s20], [sflag:$0x1] =	stream.indirect.gather [hbm4b:s3+s16], $0x40, s25, s16, $0xb8;
	[tilespmem:$0xF200] =	vst v63  }
0x38: {  	s26 =	simm.s32 $0x200  }
0x39: {  	[tilespmem:s21], [sflag:$0x1] =	stream.indirect.gather [hbm4b:s3+s16], $0x40, s26, s16, $0xb8;
	[tilespmem:$0xF200] =	vst v63  }
0x3a: {  	_ =	swait.ge [sflag:s15], $0x2000  }
0x3b: {  	[sflag:s15] =	ssyncset.done $0x0  }
0x3c: {  	s4 =	simm.s32 $0x1900;
	[sflag:s15] =	ssyncadd.s32 $0xFFFFE000  }
0x3d: {  	[tilespmem:s17], [sflag:$0x2] =	stream.indirect.gather.add.f32 [spmem:s1], $0x40, s4, s16, $0xb8;
	[tilespmem:$0xF200] =	vst v63  }
0x3e: {  	_ =	swait.ge [sflag:s15], $0x2000  }
0x3f: {  	[sflag:s15] =	ssyncset.done $0x0  }
0x40: {  	s5 =	simm.s32 $0x1980;
	[sflag:s15] =	ssyncadd.s32 $0xFFFFE000  }
0x41: {  	[tilespmem:s18], [sflag:$0x2] =	stream.indirect.gather.add.f32 [spmem:s1], $0x40, s5, s16, $0xb8;
	[tilespmem:$0xF200] =	vst v63  }
0x42: {  	_ =	swait.ge [sflag:s15], $0x2000  }
0x43: {  	[sflag:s15] =	ssyncset.done $0x0  }
0x44: {  	s8 =	simm.s32 $0x1A00;
	[sflag:s15] =	ssyncadd.s32 $0xFFFFE000  }
0x45: {  	[tilespmem:s19], [sflag:$0x2] =	stream.indirect.gather.add.f32 [spmem:s1], $0x40, s8, s16, $0xb8;
	[tilespmem:$0xF200] =	vst v63  }
0x46: {  	_ =	swait.ge [sflag:s15], $0x2000  }
0x47: {  	[sflag:s15] =	ssyncset.done $0x0  }
0x48: {  	s25 =	simm.s32 $0x1A80;
	[sflag:s15] =	ssyncadd.s32 $0xFFFFE000  }
0x49: {  	[tilespmem:s20], [sflag:$0x2] =	stream.indirect.gather.add.f32 [spmem:s1], $0x40, s25, s16, $0xb8;
	[tilespmem:$0xF200] =	vst v63  }
0x4a: {  	_ =	swait.ge [sflag:s15], $0x2000  }
0x4b: {  	[sflag:s15] =	ssyncset.done $0x0  }
0x4c: {  	s26 =	simm.s32 $0x1B00;
	[sflag:s15] =	ssyncadd.s32 $0xFFFFE000  }
0x4d: {  	[tilespmem:s21], [sflag:$0x2] =	stream.indirect.gather.add.f32 [spmem:s1], $0x40, s26, s16, $0xb8;
	[tilespmem:$0xF200] =	vst v63  }
0x4e: {  	_ =	swait.ge [sflag:s22], $0x2000  }
0x4f: {  	[sflag:s22] =	ssyncset.done $0x0  }
0x50: {  	[sflag:s22] =	ssyncadd.s32 $0xFFFFE000  }
0x51: {  	[hbm4b:s12+s2] =	stream.linear.scatter [tilespmem:s17], [sflag:$0x3], $0x2000, $0x38;
	[tilespmem:$0xF200] =	vst v63  }
0x52: {  	_ =	swait.ge [sflag:s22], $0x2000  }
0x53: {  	[sflag:s22] =	ssyncset.done $0x0  }
0x54: {  	[sflag:s22] =	ssyncadd.s32 $0xFFFFE000  }
0x55: {  	[hbm4b:s11+s2] =	stream.linear.scatter [tilespmem:s18], [sflag:$0x3], $0x2000, $0x38;
	[tilespmem:$0xF200] =	vst v63  }
0x56: {  	_ =	swait.ge [sflag:s22], $0x2000  }
0x57: {  	[sflag:s22] =	ssyncset.done $0x0  }
0x58: {  	[sflag:s22] =	ssyncadd.s32 $0xFFFFE000  }
0x59: {  	[hbm4b:s10+s2] =	stream.linear.scatter [tilespmem:s19], [sflag:$0x3], $0x2000, $0x38;
	[tilespmem:$0xF200] =	vst v63  }
0x5a: {  	s31 =	simm.s32 $0xA00;
	_ =	swait.ge [sflag:s22], $0x2000  }
0x5b: {  	s28 =	sadd.s32 $0x1400, s11;
	s30 =	sadd.s32 $0x1400, s12;
	[sflag:s22] =	ssyncset.done $0x0  }
0x5c: {  	s29 =	sadd.s32 $0x1400, s10;
	p2 =	por $0x0, $0x0;
	[sflag:s22] =	ssyncadd.s32 $0xFFFFE000  }
0x5d: {  	[hbm4b:s9+s2] =	stream.linear.scatter [tilespmem:s20], [sflag:$0x3], $0x2000, $0x38;
	[tilespmem:$0xF200] =	vst v63  }
0x5e: {  	s0 =	simm.s32 $0x1400;
	s8 =	smov.u32 s13;
	_ =	swait.ge [sflag:s22], $0x2000  }
0x5f: {  	s25 =	sadd.s32 $0x1400, s13;
	s26 =	sadd.s32 $0x1400, s9;
	[sflag:s22] =	ssyncset.done $0x0  }
.LBB2_2:
0x60: {  	s4 =	simm.s32 @!p2 $0x3  }
0x61: {  	[sflag:s22] =	ssyncadd.s32 $0xFFFFE000;
	s5 =	smov.u32 s0;
	s0 =	sadd.s32 $0xA00, s0  }
0x62: {  	[hbm4b:s8+s2] =	stream.linear.scatter [tilespmem:s21], [sflag:$0x3], $0x2000, $0x38;
	[tilespmem:$0xF200] =	vst v63  }
0x63: {  	p1 =	sne.s32 s0, $0x6400;
	s8 =	smov.u32 s25;
	_ =	swait.ge @!p2 [sflag:s4], $0x2000  }
0x64: {  	[sflag:s4] =	ssyncset.done @!p2 $0x0  }
0x65: {  	[sflag:s4] =	ssyncadd.s32 @!p2 $0xFFFFE000  }
0x66: {  	_ =	swait.ge @!p2 [sflag:s4], $0x2000  }
0x67: {  	[sflag:s4] =	ssyncset.done @!p2 $0x0  }
0x68: {  	[sflag:s4] =	ssyncadd.s32 @!p2 $0xFFFFE000  }
0x69: {  	_ =	swait.ge @!p2 [sflag:s4], $0x2000  }
0x6a: {  	[sflag:s4] =	ssyncset.done @!p2 $0x0  }
0x6b: {  	[sflag:s4] =	ssyncadd.s32 @!p2 $0xFFFFE000  }
0x6c: {  	_ =	swait.ge @!p2 [sflag:s4], $0x2000  }
0x6d: {  	[sflag:s4] =	ssyncset.done @!p2 $0x0  }
0x6e: {  	[sflag:s4] =	ssyncadd.s32 @!p2 $0xFFFFE000  }
0x6f: {  	_ =	swait.ge @!p2 [sflag:s4], $0x2000  }
0x70: {  	[sflag:s4] =	ssyncset.done @!p2 $0x0  }
0x71: {  	[sflag:s4] =	ssyncadd.s32 @!p2 $0xFFFFE000;
	s4 =	sshra.s32 s31, $0x2;
	s31 =	smov.u32 s5  }
0x72: {  	[tilespmem:s17], [sflag:$0x1] =	stream.indirect.gather [hbm4b:s3+s16], $0x40, s4, s16, $0xb8;
	[tilespmem:$0xF200] =	vst v63  }
0x73: {  	s5 =	sadd.s32 $0x80, s4  }
0x74: {  	[tilespmem:s18], [sflag:$0x1] =	stream.indirect.gather [hbm4b:s3+s16], $0x40, s5, s16, $0xb8;
	[tilespmem:$0xF200] =	vst v63  }
0x75: {  	s5 =	sadd.s32 $0x100, s4  }
0x76: {  	[tilespmem:s19], [sflag:$0x1] =	stream.indirect.gather [hbm4b:s3+s16], $0x40, s5, s16, $0xb8;
	[tilespmem:$0xF200] =	vst v63  }
0x77: {  	s5 =	sadd.s32 $0x180, s4  }
0x78: {  	[tilespmem:s20], [sflag:$0x1] =	stream.indirect.gather [hbm4b:s3+s16], $0x40, s5, s16, $0xb8;
	[tilespmem:$0xF200] =	vst v63  }
0x79: {  	s5 =	sadd.s32 $0x200, s4  }
0x7a: {  	[tilespmem:s21], [sflag:$0x1] =	stream.indirect.gather [hbm4b:s3+s16], $0x40, s5, s16, $0xb8;
	[tilespmem:$0xF200] =	vst v63  }
0x7b: {  	_ =	swait.ge [sflag:s15], $0x2000  }
0x7c: {  	[sflag:s15] =	ssyncset.done $0x0  }
0x7d: {  	s5 =	sadd.s32 $0x1900, s4;
	[sflag:s15] =	ssyncadd.s32 $0xFFFFE000  }
0x7e: {  	[tilespmem:s17], [sflag:$0x2] =	stream.indirect.gather.add.f32 [spmem:s1], $0x40, s5, s16, $0xb8;
	[tilespmem:$0xF200] =	vst v63  }
0x7f: {  	_ =	swait.ge [sflag:s15], $0x2000  }
0x80: {  	[sflag:s15] =	ssyncset.done $0x0  }
0x81: {  	s5 =	sadd.s32 $0x1980, s4;
	[sflag:s15] =	ssyncadd.s32 $0xFFFFE000  }
0x82: {  	[tilespmem:s18], [sflag:$0x2] =	stream.indirect.gather.add.f32 [spmem:s1], $0x40, s5, s16, $0xb8;
	[tilespmem:$0xF200] =	vst v63  }
0x83: {  	_ =	swait.ge [sflag:s15], $0x2000  }
0x84: {  	[sflag:s15] =	ssyncset.done $0x0  }
0x85: {  	s5 =	sadd.s32 $0x1A00, s4;
	[sflag:s15] =	ssyncadd.s32 $0xFFFFE000  }
0x86: {  	[tilespmem:s19], [sflag:$0x2] =	stream.indirect.gather.add.f32 [spmem:s1], $0x40, s5, s16, $0xb8;
	[tilespmem:$0xF200] =	vst v63  }
0x87: {  	_ =	swait.ge [sflag:s15], $0x2000  }
0x88: {  	[sflag:s15] =	ssyncset.done $0x0  }
0x89: {  	s5 =	sadd.s32 $0x1A80, s4;
	[sflag:s15] =	ssyncadd.s32 $0xFFFFE000  }
0x8a: {  	[tilespmem:s20], [sflag:$0x2] =	stream.indirect.gather.add.f32 [spmem:s1], $0x40, s5, s16, $0xb8;
	[tilespmem:$0xF200] =	vst v63  }
0x8b: {  	_ =	swait.ge [sflag:s15], $0x2000  }
0x8c: {  	[sflag:s15] =	ssyncset.done $0x0  }
0x8d: {  	s4 =	sadd.s32 $0x1B00, s4;
	[sflag:s15] =	ssyncadd.s32 $0xFFFFE000  }
0x8e: {  	[tilespmem:s21], [sflag:$0x2] =	stream.indirect.gather.add.f32 [spmem:s1], $0x40, s4, s16, $0xb8;
	[tilespmem:$0xF200] =	vst v63  }
0x8f: {  	_ =	swait.ge [sflag:s22], $0x2000  }
0x90: {  	[sflag:s22] =	ssyncset.done $0x0  }
0x91: {  	[sflag:s22] =	ssyncadd.s32 $0xFFFFE000  }
0x92: {  	[hbm4b:s30+s2] =	stream.linear.scatter [tilespmem:s17], [sflag:$0x3], $0x2000, $0x38;
	[tilespmem:$0xF200] =	vst v63  }
0x93: {  	_ =	swait.ge [sflag:s22], $0x2000  }
0x94: {  	[sflag:s22] =	ssyncset.done $0x0  }
0x95: {  	[sflag:s22] =	ssyncadd.s32 $0xFFFFE000  }
0x96: {  	[hbm4b:s28+s2] =	stream.linear.scatter [tilespmem:s18], [sflag:$0x3], $0x2000, $0x38;
	[tilespmem:$0xF200] =	vst v63  }
0x97: {  	_ =	swait.ge [sflag:s22], $0x2000  }
0x98: {  	[sflag:s22] =	ssyncset.done $0x0  }
0x99: {  	[sflag:s22] =	ssyncadd.s32 $0xFFFFE000  }
0x9a: {  	[hbm4b:s29+s2] =	stream.linear.scatter [tilespmem:s19], [sflag:$0x3], $0x2000, $0x38;
	[tilespmem:$0xF200] =	vst v63  }
0x9b: {  	_ =	swait.ge [sflag:s22], $0x2000  }
.Ltmp0:
0x9c: {  	[sflag:s22] =	ssyncset.done $0x0;
	(pc) =	sbr.rel @p1 .LBB2_2-.Ltmp0, $4  }
0x9d: {  	s30 =	sadd.s32 $0x1400, s30;
	s28 =	sadd.s32 $0x1400, s28;
	[sflag:s22] =	ssyncadd.s32 $0xFFFFE000  }
0x9e: {  	[hbm4b:s26+s2] =	stream.linear.scatter [tilespmem:s20], [sflag:$0x3], $0x2000, $0x38;
	[tilespmem:$0xF200] =	vst v63  }
0x9f: {  	s29 =	sadd.s32 $0x1400, s29;
	s26 =	sadd.s32 $0x1400, s26;
	_ =	swait.ge [sflag:s22], $0x2000  }
0xa0: {  	s25 =	sadd.s32 $0x1400, s25;
	p2 =	seq.s32 s31, $0x0;
	[sflag:s22] =	ssyncset.done $0x0  }
0xa1: {  	s0 =	simm.s32 @!p2 $0x3;
	[sflag:s22] =	ssyncadd.s32 $0xFFFFE000  }
0xa2: {  	[hbm4b:s8+s2] =	stream.linear.scatter [tilespmem:s21], [sflag:$0x3], $0x2000, $0x38;
	[tilespmem:$0xF200] =	vst v63  }
0xa3: {  	_ =	swait.ge @!p2 [sflag:s0], $0x2000  }
0xa4: {  	[sflag:s0] =	ssyncset.done @!p2 $0x0  }
0xa5: {  	[sflag:s0] =	ssyncadd.s32 @!p2 $0xFFFFE000  }
0xa6: {  	_ =	swait.ge @!p2 [sflag:s0], $0x2000  }
0xa7: {  	[sflag:s0] =	ssyncset.done @!p2 $0x0  }
0xa8: {  	[sflag:s0] =	ssyncadd.s32 @!p2 $0xFFFFE000  }
0xa9: {  	_ =	swait.ge @!p2 [sflag:s0], $0x2000  }
0xaa: {  	[sflag:s0] =	ssyncset.done @!p2 $0x0  }
0xab: {  	[sflag:s0] =	ssyncadd.s32 @!p2 $0xFFFFE000  }
0xac: {  	_ =	swait.ge @!p2 [sflag:s0], $0x2000  }
0xad: {  	[sflag:s0] =	ssyncset.done @!p2 $0x0  }
0xae: {  	[sflag:s0] =	ssyncadd.s32 @!p2 $0xFFFFE000  }
0xaf: {  	_ =	swait.ge @!p2 [sflag:s0], $0x2000  }
0xb0: {  	[sflag:s0] =	ssyncset.done @!p2 $0x0  }
0xb1: {  	[sflag:s0] =	ssyncadd.s32 @!p2 $0xFFFFE000;
	s0 =	sshra.s32 s31, $0x2  }
0xb2: {  	[tilespmem:s17], [sflag:$0x1] =	stream.indirect.gather [hbm4b:s3+s16], $0x40, s0, s16, $0xb8;
	[tilespmem:$0xF200] =	vst v63  }
0xb3: {  	s4 =	sadd.s32 $0x80, s0  }
0xb4: {  	[tilespmem:s18], [sflag:$0x1] =	stream.indirect.gather [hbm4b:s3+s16], $0x40, s4, s16, $0xb8;
	[tilespmem:$0xF200] =	vst v63  }
0xb5: {  	s31 =	sadd.s32 $0x100, s0  }
0xb6: {  	[tilespmem:s19], [sflag:$0x1] =	stream.indirect.gather [hbm4b:s3+s16], $0x40, s31, s16, $0xb8;
	[tilespmem:$0xF200] =	vst v63  }
0xb7: {  	s5 =	sadd.s32 $0x180, s0  }
0xb8: {  	[tilespmem:s20], [sflag:$0x1] =	stream.indirect.gather [hbm4b:s3+s16], $0x40, s5, s16, $0xb8;
	[tilespmem:$0xF200] =	vst v63  }
0xb9: {  	s8 =	sadd.s32 $0x200, s0  }
0xba: {  	[tilespmem:s21], [sflag:$0x1] =	stream.indirect.gather [hbm4b:s3+s16], $0x40, s8, s16, $0xb8;
	[tilespmem:$0xF200] =	vst v63  }
0xbb: {  	_ =	swait.ge [sflag:s15], $0x2000  }
0xbc: {  	[sflag:s15] =	ssyncset.done $0x0  }
0xbd: {  	s31 =	sadd.s32 $0x1900, s0;
	[sflag:s15] =	ssyncadd.s32 $0xFFFFE000  }
0xbe: {  	[tilespmem:s17], [sflag:$0x2] =	stream.indirect.gather.add.f32 [spmem:s1], $0x40, s31, s16, $0xb8;
	[tilespmem:$0xF200] =	vst v63  }
0xbf: {  	_ =	swait.ge [sflag:s15], $0x2000  }
0xc0: {  	[sflag:s15] =	ssyncset.done $0x0  }
0xc1: {  	s5 =	sadd.s32 $0x1980, s0;
	[sflag:s15] =	ssyncadd.s32 $0xFFFFE000  }
0xc2: {  	[tilespmem:s18], [sflag:$0x2] =	stream.indirect.gather.add.f32 [spmem:s1], $0x40, s5, s16, $0xb8;
	[tilespmem:$0xF200] =	vst v63  }
0xc3: {  	_ =	swait.ge [sflag:s15], $0x2000  }
0xc4: {  	[sflag:s15] =	ssyncset.done $0x0  }
0xc5: {  	s8 =	sadd.s32 $0x1A00, s0;
	[sflag:s15] =	ssyncadd.s32 $0xFFFFE000  }
0xc6: {  	[tilespmem:s19], [sflag:$0x2] =	stream.indirect.gather.add.f32 [spmem:s1], $0x40, s8, s16, $0xb8;
	[tilespmem:$0xF200] =	vst v63  }
0xc7: {  	_ =	swait.ge [sflag:s15], $0x2000  }
0xc8: {  	[sflag:s15] =	ssyncset.done $0x0  }
0xc9: {  	s31 =	sadd.s32 $0x1A80, s0;
	[sflag:s15] =	ssyncadd.s32 $0xFFFFE000  }
0xca: {  	[tilespmem:s20], [sflag:$0x2] =	stream.indirect.gather.add.f32 [spmem:s1], $0x40, s31, s16, $0xb8;
	[tilespmem:$0xF200] =	vst v63  }
0xcb: {  	_ =	swait.ge [sflag:s15], $0x2000  }
0xcc: {  	[sflag:s15] =	ssyncset.done $0x0  }
0xcd: {  	s0 =	sadd.s32 $0x1B00, s0;
	[sflag:s15] =	ssyncadd.s32 $0xFFFFE000  }
0xce: {  	[tilespmem:s21], [sflag:$0x2] =	stream.indirect.gather.add.f32 [spmem:s1], $0x40, s0, s16, $0xb8;
	[tilespmem:$0xF200] =	vst v63  }
0xcf: {  	_ =	swait.ge [sflag:s22], $0x2000  }
0xd0: {  	[sflag:s22] =	ssyncset.done $0x0  }
0xd1: {  	[sflag:s22] =	ssyncadd.s32 $0xFFFFE000  }
0xd2: {  	[hbm4b:s30+s2] =	stream.linear.scatter [tilespmem:s17], [sflag:$0x3], $0x2000, $0x38;
	[tilespmem:$0xF200] =	vst v63  }
0xd3: {  	_ =	swait.ge [sflag:s22], $0x2000  }
0xd4: {  	[sflag:s22] =	ssyncset.done $0x0  }
0xd5: {  	[sflag:s22] =	ssyncadd.s32 $0xFFFFE000  }
0xd6: {  	[hbm4b:s28+s2] =	stream.linear.scatter [tilespmem:s18], [sflag:$0x3], $0x2000, $0x38;
	[tilespmem:$0xF200] =	vst v63  }
0xd7: {  	_ =	swait.ge [sflag:s22], $0x2000  }
0xd8: {  	[sflag:s22] =	ssyncset.done $0x0  }
0xd9: {  	[sflag:s22] =	ssyncadd.s32 $0xFFFFE000  }
0xda: {  	[hbm4b:s29+s2] =	stream.linear.scatter [tilespmem:s19], [sflag:$0x3], $0x2000, $0x38;
	[tilespmem:$0xF200] =	vst v63  }
0xdb: {  	_ =	swait.ge [sflag:s22], $0x2000  }
0xdc: {  	[sflag:s22] =	ssyncset.done $0x0  }
0xdd: {  	[sflag:s22] =	ssyncadd.s32 $0xFFFFE000  }
0xde: {  	[hbm4b:s26+s2] =	stream.linear.scatter [tilespmem:s20], [sflag:$0x3], $0x2000, $0x38;
	[tilespmem:$0xF200] =	vst v63  }
0xdf: {  	_ =	swait.ge [sflag:s22], $0x2000  }
0xe0: {  	[sflag:s22] =	ssyncset.done $0x0  }
0xe1: {  	[sflag:s22] =	ssyncadd.s32 $0xFFFFE000  }
0xe2: {  	[hbm4b:s25+s2] =	stream.linear.scatter [tilespmem:s21], [sflag:$0x3], $0x2000, $0x38;
	[tilespmem:$0xF200] =	vst v63  }
0xe3: {  	_ =	swait.ge [sflag:s23], $0x2000  }
0xe4: {  	[sflag:s23] =	ssyncset.done $0x0  }
0xe5: {  	[sflag:s23] =	ssyncadd.s32 $0xFFFFE000  }
0xe6: {  	_ =	swait.ge [sflag:s23], $0x2000  }
0xe7: {  	[sflag:s23] =	ssyncset.done $0x0  }
0xe8: {  	[sflag:s23] =	ssyncadd.s32 $0xFFFFE000  }
0xe9: {  	_ =	swait.ge [sflag:s23], $0x2000  }
0xea: {  	[sflag:s23] =	ssyncset.done $0x0  }
0xeb: {  	s24 =	sadd.s32 $0x1, s24;
	[sflag:s23] =	ssyncadd.s32 $0xFFFFE000  }
0xec: {  	p1 =	sne.s32 s24, s7;
	_ =	swait.ge [sflag:s23], $0x2000  }
.Ltmp1:
0xed: {  	[sflag:s23] =	ssyncset.done $0x0;
	(pc) =	sbr.rel @p1 .LBB2_1-.Ltmp1, $4  }
0xee: {  	[sflag:s23] =	ssyncadd.s32 $0xFFFFE000  }
0xef: {  	_ =	swait.ge [sflag:s23], $0x2000  }
0xf0: {  	[sflag:s23] =	ssyncset.done $0x0  }
0xf1: {  	[sflag:s23] =	ssyncadd.s32 $0xFFFFE000  }
0xf2: {  	_ =	sfence.sel $0x180000  }
0xf3: {  	[bflag:$0x0] =	sbarrier.arrive $0xFFFF  }
0xf4: {  	_ =	strace $0x90000047  }
0xf5: {  	[bflag:$0x2] =	sbarrier.arrive $0xFFFF  }
0xf6: {  	s0 =	rddreg [dreg:$0x3]  }
0xf7: {  	s0 =	sadd.s32 @!p0 $0x100000, s0  }
0xf8: {  	[sflag:s0] =	ssyncadd.tile.s32 @!p0 $0x1;
	_ =	shalt  }
.Lfunc_end2:
_tile_overlayer_lowered:
.L_overlay_start_2:
0xf9: {  	(tag) =	ssettag $0x2  }
0xfa: {  	s0 =	rddreg [dreg:$0x0];
	s2 =	stileid.u32  }
0xfb: {  	s1 =	rddreg [dreg:$0x1];
	p0 =	sne.s32 s2, $0x0  }
0xfc: {  	s3 =	rddreg [dreg:$0x2];
	[bflag:$0x3] =	sbarrier.arrive $0xFFFF;
	s2 =	simm.s32 @!p0 $0x1C04  }
0xfd: {  	[timem:s3], [sflag:s2] =	dma.local @!p0 [hbm:s0], s1  }
0xfe: {  	s0 =	simm.s32 @!p0 $0x4  }
0xff: {  	_ =	swait.ge @!p0 [sflag:s0], s1  }
0x100: {  	s1 =	ssub.s32 @!p0 $0x0, s1;
	[sflag:s0] =	ssyncset.done @!p0 $0x0  }
0x101: {  	[sflag:s0] =	ssyncadd.s32 @!p0 s1  }
0x102: {  	[bflag:$0x3] =	sbarrier.arrive $0xFFFF  }
0x103: {  	_ =	shalt  }

// kernel: sparse-core-data-format-call.cloned.1.call-start
scs
called_computation_lowered:
.L_overlay_start_0:
0x0: {  	s2 =	sld [smem:$0x3FD9]  }
0x1: {  	s3 =	sld [smem:$0x3FFE];
	_ =	sdelay $0x1  }
0x2: {  	s1 =	srdreg.scid  }
0x3: {  	s0 =	sand.u32 $0x1, s1  }
0x4: {  	s18 =	sshll.u32 s0, $0xA;
	s2 =	sadd.s32 s3, s2  }
0x5: {  	s2 =	sadd.s32 s2, s18  }
0x6: {  	[smem:$0x3FC4] =	sst s2  }
0x7: {  	_ = 	snop  }
0x8: {  	s2 =	sld [smem:$0x3FD0];
	(tm) =	ssettm $0x1  }
0x9: {  	s19 =	sld [smem:$0x3FFB];
	_ =	sdelay $0x3  }
0xa: {  	_ =	strace s19  }
0xb: {  	s3 =	sld [smem:$0x3FFC];
	_ =	sdelay $0x3  }
0xc: {  	_ =	strace s3  }
0xd: {  	s3 =	sld [smem:$0x3FFD];
	_ =	sdelay $0x3  }
0xe: {  	_ =	strace s3  }
0xf: {  	_ =	strace $0x8FFFFFFF  }
0x10: {  	s20 =	sld [smem:$0x3FDB];
	_ =	sdelay $0x1  }
0x11: {  	s4 =	simm.s32 $_scs_section_size  }
0x12: {  	s5 =	simm.s32 $_size__tile_overlayer_lowered;
	s6 =	simm.s32 $_tile_overlayer_lowered  }
0x13: {  	s23 =	simm.s32 $0x1BFF;
	s22 =	sshll.u32 s6, $0x1;
	s3 =	sadd.s32 s4, s20  }
0x14: {  	s7 =	simm.s32 $0x0;
	s21 =	sshll.u32 s5, $0x1;
	s5 =	sadd.s32 s22, s3  }
0x15: {  	[timem:s7], [sflag:s23] =	dma.local [hbm:s5], s21  }
0x16: {  	_ =	swait.ge [sflag:s23], s21  }
0x17: {  	s4 =	ssub.s32 $0x0, s21;
	[sflag:s23] =	ssyncset.done $0x0  }
0x18: {  	[sflag:s23] =	ssyncadd.s32 s4;
	_ =	sdelay $0x1  }
0x19: {  	s24 =	simm.s32 $0x1B8B  }
0x1a: {  	_ =	swait.ge [sflag:s24], $0x1  }
0x1b: {  	[sflag:s24] =	ssyncset.done $0x0  }
0x1c: {  	s26 =	simm.s32 $0x1B8E;
	s25 =	sld [smem:$0x3FFE];
	[sflag:s24] =	ssyncadd.s32 $0xFFFFFFFF  }
0x1d: {  	s27 =	simm.s32 $execute0_lowered;
	[smem:$0x3FD2] =	sst s26  }
0x1e: {  	s5 =	sshll.u32 s27, $0x1;
	_ =	strace $0x80000049;
	[dreg:$0x1] =	wrdreg $0xFFFFFFFF  }
0x1f: {  	s28 =	simm.s32 $_size_execute0_lowered;
	s3 =	sadd.s32 s3, s5;
	[dreg:$0x0] =	wrdreg $0x0  }
0x20: {  	s5 =	sshll.u32 s28, $0x1;
	[dreg:$0x2] =	wrdreg s3  }
0x21: {  	[dreg:$0x3] =	wrdreg s5  }
0x22: {  	[dreg:$0x4] =	wrdreg $0xC0  }
0x23: {  	_ =	task [dreg:s7], $0x5FFFF  }
0x24: {  	[dreg:$0x1] =	wrdreg $0xFFFFFFFF  }
0x25: {  	[dreg:$0x0] =	wrdreg $0x60  }
0x26: {  	[dreg:$0x2] =	wrdreg s25  }
0x27: {  	[dreg:$0x3] =	wrdreg s2  }
0x28: {  	[dreg:$0x4] =	wrdreg $0x9  }
0x29: {  	_ =	task.clear_ibuf [dreg:s7], $0x5FFFF;
	_ =	strace $0x90000049  }
0x2a: {  	s29 =	simm.s32 $0x9;
	_ =	strace $0x8000004B  }
0x2b: {  	_ =	swait.ge [sflag:s29], $0x1  }
0x2c: {  	[sflag:s29] =	ssyncadd.s32 $0xFFFFFFFF  }
0x2d: {  	_ =	strace $0x9000004B  }
0x2e: {  	_ =	sfence  }
0x2f: {  	s30 =	sld [smem:$0x0];
	_ =	sdelay $0x2  }
0x30: {  	s31 =	sshll.u32 s1, $0xD;
	s1 =	sshrl.u32 s1, $0x2  }
0x31: {  	s3 =	sand.u32 $0x4000, s31;
	s1 =	sadd.s32 s1, s30  }
0x32: {  	s0 =	sor.u32 s3, s0;
	s1 =	sshll.u32 s1, $0x11  }
0x33: {  	s0 =	sor.u32 s1, s0  }
0x34: {  	s0 =	sadd.s32 $0x8F2B, s0  }
0x35: {  	[sflag:s0] =	ssyncadd.remote.s32 $0x1  }
0x36: {  	_ =	sfence.sel $0xFFFF  }
0x37: {  	[dreg:$0x0] =	wrdreg $0xFFFFFFFF;
	(pc) =	sbr.abs _section_cstart, $3  }
0x38: {  	[dreg:$0x1] =	wrdreg $0xFFFFFFFF  }
0x39: {  	_ =	task.clear_ibuf [dreg:s7], $0x2FFFF;
	_ =	strace $0x9FFFFFFF  }
0x3a: {  	(tm) =	ssettm $0x7FFFFFFF  }
0x3b: {  	_ =	shalt  }
tec
execute0_lowered:
.L_overlay_start_1:
0x0: {  	(tag) =	ssettag $0x1  }
0x1: {  	s0 =	stileid.u32;
	s6 =	rddreg [dreg:$0x0]  }
0x2: {  	s2 =	rddreg [dreg:$0x1];
	s5 =	srdreg.scid  }
0x3: {  	s31 =	simm.s32 $0x2;
	s13 =	simm.s32 $0x0;
	s1 =	sshll.u32 s0, $0x7  }
0x4: {  	s14 =	simm.s32 $0x0;
	s12 =	simm.s32 $0x0;
	s3 =	sand.u32 $0x380, s1  }
0x5: {  	s5 =	sshll.u32 s5, $0x4;
	s6 =	sadd.s32 $0xE00, s6;
	s4 =	ssub.s32 $0x400, s3  }
0x6: {  	s1 =	rddreg [dreg:$0x2];
	_ =	strace $0x8000004A;
	s7 =	sand.u32 $0x380, s4  }
0x7: {  	s5 =	sand.u32 $0x10, s5;
	p0 =	sne.s32 s7, $0x0;
	s7 =	simm.s32 $0x1  }
.Ltmp0:
0x8: {  	s8 =	sshrl.u32 s4, $0xA;
	s7 =	simm.s32 @!p0 $0x0;
	(pc) =	sbr.rel .LBB1_1-.Ltmp0, $4  }
0x9: {  	s9 =	sor.u32 s0, s5;
	s4 =	simm.s32 $0x1;
	s30 =	sadd.s32 s7, s8  }
0xa: {  	s11 =	smov.u32 s3;
	[sflag:s4] =	ssyncpa.u1 $0x0;
	s5 =	smul.u32 $0x32, s30  }
0xb: {  	[sflag:s31] =	ssyncpa.u1 $0x0;
	p0 =	por $0x0, $0x0;
	s7 =	sshrl.u32 s9, $0x3  }
0xc: {  	s9 =	simm.s32 $0x2000;
	s10 =	smov.u32 s7;
	s8 =	sor.u32 $0x1, s5  }
.LBB1_4:
0xd: {  	s17 =	sand.u32 $0x1F80, s14;
	s13 =	sshll.u32 s13, $0xD  }
0xe: {  	[tilespmem:s16+$0x810 ss:$0x81] =	vst.msk $0xffff, v2;
	s18 =	sshrl.u32 s14, $0x3;
	s31 =	sand.u32 $0x7, s14;
	s17 =	sadd.s32 s2, s17  }
0xf: {  	[tilespmem:s16+$0x1020 ss:$0x81] =	vst.msk $0xffff, v0;
	s18 =	sand.u32 $0xF, s18;
	s14 =	sshll.u32 s31, $0x12;
	s13 =	sadd.s32 s13, s17  }
0x10: {  	[tilespmem:s16+$0x0 ss:$0x81] =	vst.msk $0xffff, v1;
	s14 =	sor.u32 $0x400, s14;
	s13 =	sadd.s32 s18, s13  }
0x11: {  	[hbm4b:s13+s14] =	stream.strided.scatter [tilespmem:s15], [sflag:$0x2], $0x2000, s9, s14, $0x20;
	[tilespmem:$0x8080] =	vst v63  }
.LBB1_5:
0x12: {  	s15 =	sadd.s32 $0x4, s10  }
0x13: {  	s13 =	sadd.s32 $0x400, s11;
	s17 =	smov.u32 s11;
	p2 =	sgt.s32 s15, $0xC7  }
0x14: {  	s17 =	smov.u32 @p2 s13  }
0x15: {  	s15 =	smov.u32 @p2 s7;
	p2 =	sgt.s32 s17, $0x3FF  }
0x16: {  	s17 =	smov.u32 @p2 s3;
	p2 =	sne.s32 s12, s8  }
.Ltmp1:
0x17: {  	p1 =	slt.u32 s12, $0x2;
	(pc) =	sbr.rel @!p2 .LBB1_6-.Ltmp1, $4  }
0x18: {  	s16 =	simm.s32 @!p1 $0x2  }
0x19: {  	s14 =	smov.u32 s11;
	p0 =	por !p0, !p0;
	_ =	swait.ge @!p1 [sflag:s16], $0x2000  }
0x1a: {  	s13 =	smov.u32 s10;
	[sflag:s16] =	ssyncset.done @!p1 $0x0;
	s10 =	smov.u32 s15  }
0x1b: {  	s12 =	sadd.s32 $0x1, s12;
	[sflag:s16] =	ssyncadd.s32 @!p1 $0xFFFFE000;
	s11 =	smov.u32 s17  }
.LBB1_1:
0x1c: {  	p1 =	sge.u32 s12, s5  }
0x1d: {  	s15 =	sand.u32 @!p1 $0x1FFFFFF, s10  }
0x1e: {  	s16 =	smulhi.u32 @!p1 $0x147AE15, s15;
	_ =	sdelay $0x1  }
0x1f: {  	s16 =	smul.u32 @!p1 $0xC8, s16  }
0x20: {  	s17 =	sxor.u32 @!p1 $0xFFFFFFFF, s12;
	s18 =	smul.u32 @!p1 $0xC80, s11  }
0x21: {  	s31 =	sadd.s32 $0xFFFFFFFF, s12;
	s17 =	sshll.u32 @!p1 s17, $0xD;
	s15 =	ssub.s32 @!p1 s15, s16  }
0x22: {  	s16 =	sand.u32 @!p1 $0x2000, s17;
	s17 =	sadd.s32 @!p1 s6, s18;
	s15 =	sshll.u32 @!p1 s15, $0x4  }
0x23: {  	s18 =	simm.s32 @!p1 $0x6400;
	s15 =	sadd.s32 @!p1 s15, s17;
	s17 =	simm.s32 @!p1 $0x40  }
0x24: {  	[tilespmem:s16], [sflag:$0x1] =	stream.strided.gather @!p1 [hbm4b:s15+s17], $0x2000, s18, s17, $0x38;
	[tilespmem:$0x8080] =	vst v63  }
0x25: {  	p1 =	sge.u32 s31, s5  }
.Ltmp2:
0x26: {  	_ = 	snop;
	(pc) =	sbr.rel @p1 .LBB1_5-.Ltmp2, $1  }
0x27: {  	_ =	sdelay $0x3  }
0x28: {  	s15 =	simm.s32 $0x1  }
0x29: {  	_ =	swait.ge [sflag:s4], $0x2000;
	s15 =	simm.s32 @!p0 $0x0  }
0x2a: {  	[sflag:s4] =	ssyncset.done $0x0;
	s16 =	sshll.u32 s15, $0xD  }
0x2b: {  	[sflag:s4] =	ssyncadd.s32 $0xFFFFE000;
	s19 =	sor.u32 $0x20, s16  }
0x2c: {  	s15 =	smul.u32 $0x8100, s15;
	v3 =	vld [tilespmem:s19+$0x10]  }
0x2d: {  	s30 =	sand.u32 $0x1, s12;
	v2 =	vld [tilespmem:s19+$0xFFFFFFF0]  }
0x2e: {  	s16 =	smul.u32 $0x8100, s30;
	s15 =	sshrl.u32 s15, $0x2;
	v0 =	vld [tilespmem:s19+$0x0]  }
0x2f: {  	v1 =	vld [tilespmem:s19+$0xFFFFFFE0];
	s17 =	sor.u32 $0x4000, s15  }
0x30: {  	s31 =	sshrl.u32 s16, $0x2;
	s16 =	sadd.s32 $0x0, s17  }
0x31: {  	s18 =	simm.s32 $0x4;
	s19 =	sadd.s32 $0x40, s19;
	s15 =	sor.u32 $0x4000, s31;
	[tilespmem:s16+$0x1830 ss:$0x81] =	vst.msk $0xffff, v3  }
.LBB1_3:
0x32: {  	v3 =	vld [tilespmem:s19+$0x10];
	p1 =	sne.s32 s18, $0x1FC;
	[tilespmem:s16+$0x810 ss:$0x81] =	vst.msk $0xffff, v2;
	s20 =	smov.u32 s18;
	s18 =	sadd.s32 $0x4, s18  }
.Ltmp3:
0x33: {  	v2 =	vld [tilespmem:s19+$0xFFFFFFF0];
	[tilespmem:s16+$0x1020 ss:$0x81] =	vst.msk $0xffff, v0;
	(pc) =	sbr.rel @p1 .LBB1_3-.Ltmp3, $4  }
0x34: {  	v0 =	vld [tilespmem:s19+$0x0];
	[tilespmem:s16+$0x0 ss:$0x81] =	vst.msk $0xffff, v1  }
0x35: {  	s16 =	sshra.s32 s20, $0x2;
	v1 =	vld [tilespmem:s19+$0xFFFFFFE0]  }
0x36: {  	s16 =	sadd.s32 s16, s17  }
0x37: {  	s19 =	sadd.s32 $0x40, s19;
	[tilespmem:s16+$0x1830 ss:$0x81] =	vst.msk $0xffff, v3  }
.Ltmp4:
0x38: {  	_ = 	snop;
	(pc) =	sbr.rel .LBB1_4-.Ltmp4, $1  }
0x39: {  	_ =	sdelay $0x3  }
.LBB1_6:
0x3a: {  	_ =	sfence.sel $0x180000  }
0x3b: {  	s2 =	simm.s32 $0x1;
	[bflag:$0x0] =	sbarrier.arrive $0xFFFF  }
0x3c: {  	s31 =	simm.s32 $0x2;
	[sflag:s2] =	ssyncpa.u1 $0x1  }
0x3d: {  	[sflag:s31] =	ssyncpa.u1 $0x1  }
0x3e: {  	p0 =	sne.s32 s0, $0x0;
	_ =	strace $0x9000004A  }
0x3f: {  	s0 =	sadd.s32 @!p0 $0x100000, s1;
	[bflag:$0x2] =	sbarrier.arrive $0xFFFF  }
0x40: {  	[sflag:s0] =	ssyncadd.tile.s32 @!p0 $0x1;
	_ =	shalt  }
.Lfunc_end1:
_tile_overlayer_lowered:
.L_overlay_start_2:
0x41: {  	(tag) =	ssettag $0x2  }
0x42: {  	s0 =	rddreg [dreg:$0x0];
	s2 =	stileid.u32  }
0x43: {  	s1 =	rddreg [dreg:$0x1];
	p0 =	sne.s32 s2, $0x0  }
0x44: {  	s3 =	rddreg [dreg:$0x2];
	[bflag:$0x3] =	sbarrier.arrive $0xFFFF;
	s2 =	simm.s32 @!p0 $0x1C01  }
0x45: {  	[timem:s3], [sflag:s2] =	dma.local @!p0 [hbm:s0], s1  }
0x46: {  	s0 =	simm.s32 @!p0 $0x1  }
0x47: {  	_ =	swait.ge @!p0 [sflag:s0], s1  }
0x48: {  	s1 =	ssub.s32 @!p0 $0x0, s1;
	[sflag:s0] =	ssyncset.done @!p0 $0x0  }
0x49: {  	[sflag:s0] =	ssyncadd.s32 @!p0 s1  }
0x4a: {  	[bflag:$0x3] =	sbarrier.arrive $0xFFFF  }
0x4b: {  	_ =	shalt  }

</sc_bundles>
